<compile_context>
chip_gen: v7x
topology: tpu7x:2x2x1
jax: 0.10.2.dev20260603
libtpu: 0.0.44.dev20260713+nightly
codegen_flags: <defaults>
</compile_context>

<pallas_src>
import functools

import jax
import jax.numpy as jnp
from jax import lax
from jax.experimental import pallas as pl
from jax.experimental.pallas import tpu as pltpu
from jax.experimental.pallas import tpu_sc as plsc

B, L = 4096, 200
D_ITEM, D_CAT, D_BRAND = 64, 32, 32
D_OUT = D_ITEM + D_CAT + D_BRAND
N = B * L

NC, NS = 2, 16
NW = NC * NS
TOK_PER_W = N // NW
C = 128
NSLOT = 5
NGROUP = TOK_PER_W // (NSLOT * C)

_MESH = plsc.VectorSubcoreMesh(core_axis_name="c", subcore_axis_name="s")

_SCRATCH = (
    [pltpu.VMEM((C,), jnp.int32) for _ in range(3 * NSLOT)]
    + [pltpu.VMEM((C, D_OUT), jnp.float32) for _ in range(NSLOT)]
    + [pltpu.SemaphoreType.DMA for _ in range(4 * NSLOT)]
)


@functools.partial(
    pl.kernel,
    out_type=jax.ShapeDtypeStruct((N, D_OUT), jnp.float32),
    mesh=_MESH,
    scratch_types=_SCRATCH,
)
def _embed_sc(item_r, cat_r, brand_r, ti_r, tc_r, tb_r, out_r, *scratch):
    idx_i = scratch[0:NSLOT]
    idx_c = scratch[NSLOT:2 * NSLOT]
    idx_b = scratch[2 * NSLOT:3 * NSLOT]
    out_v = scratch[3 * NSLOT:4 * NSLOT]
    sem_i = scratch[4 * NSLOT:5 * NSLOT]
    sem_g = scratch[5 * NSLOT:6 * NSLOT]
    sem_a = scratch[6 * NSLOT:7 * NSLOT]
    sem_w = scratch[7 * NSLOT:8 * NSLOT]

    wid = lax.axis_index("s") * NC + lax.axis_index("c")
    w_base = wid * TOK_PER_W

    def do_group(base, wait_writes):
        bases = [base + s * C for s in range(NSLOT)]
        if wait_writes:
            for s in range(NSLOT):
                pltpu.make_async_copy(out_v[s], out_r.at[pl.ds(bases[s], C)], sem_w[s]).wait()

        iw = []
        for s in range(NSLOT):
            i1 = pltpu.async_copy(item_r.at[pl.ds(bases[s], C)], idx_i[s], sem_i[s])
            i2 = pltpu.async_copy(cat_r.at[pl.ds(bases[s], C)], idx_c[s], sem_i[s])
            i3 = pltpu.async_copy(brand_r.at[pl.ds(bases[s], C)], idx_b[s], sem_i[s])
            iw.append((i1, i2, i3))

        gw = []
        for s in range(NSLOT):
            for d in iw[s]:
                d.wait()
            gw.append(pltpu.async_copy(ti_r.at[idx_i[s]], out_v[s], sem_g[s]))

        aw = []
        for s in range(NSLOT):
            gw[s].wait()
            a1 = pltpu.async_copy(tc_r.at[idx_c[s]], out_v[s], sem_a[s], add=True)
            a2 = pltpu.async_copy(tb_r.at[idx_b[s]], out_v[s], sem_a[s], add=True)
            aw.append((a1, a2))

        for s in range(NSLOT):
            aw[s][0].wait()
            aw[s][1].wait()
            pltpu.async_copy(out_v[s], out_r.at[pl.ds(bases[s], C)], sem_w[s])

    do_group(w_base, wait_writes=False)

    def group(g, carry):
        do_group(w_base + g * NSLOT * C, wait_writes=True)
        return carry

    lax.fori_loop(1, NGROUP, group, 0)

    last = w_base + (NGROUP - 1) * NSLOT * C
    for s in range(NSLOT):
        pltpu.make_async_copy(out_v[s], out_r.at[pl.ds(last + s * C, C)], sem_w[s]).wait()


def kernel(item, category, brand, T_item, T_category, T_brand):
    item_f = item.reshape(N).astype(jnp.int32)
    cat_f = category.reshape(N).astype(jnp.int32)
    brand_f = brand.reshape(N).astype(jnp.int32)
    ti_p = jnp.pad(T_item, ((0, 0), (0, D_OUT - D_ITEM)))
    tc_p = jnp.pad(T_category, ((0, 0), (D_ITEM, D_OUT - D_ITEM - D_CAT)))
    tb_p = jnp.pad(T_brand, ((0, 0), (D_OUT - D_BRAND, 0)))
    out = _embed_sc(item_f, cat_f, brand_f, ti_p, tc_p, tb_p)
    return out.reshape(B, L, D_OUT)

# --- scband reference (transcript-rebuilt; emitter-appended) ---
"""Pipeline reference for scband-simple-embedding-14010183320051 (READ-ONLY COPY).

The authoritative reference and input builder live on the scoring server;
editing this copy changes nothing except your own understanding.
"""

import jax, jax.numpy as jnp
import numpy as np

B, L = 4096, 200
V_ITEM, V_CAT, V_BRAND = 100000, 1000, 100000
D_ITEM, D_CAT, D_BRAND = 64, 32, 32


def setup_inputs(seed: int = 0) -> dict:
    key = jax.random.key(seed)
    k1, k2, k3, k4, k5, k6 = jax.random.split(key, 6)
    item = jax.random.randint(k1, (B, L), 0, V_ITEM, dtype=jnp.int64)
    category = jax.random.randint(k2, (B, L), 0, V_CAT, dtype=jnp.int64)
    brand = jax.random.randint(k3, (B, L), 0, V_BRAND, dtype=jnp.int64)
    T_item = (jax.random.normal(k4, (V_ITEM, D_ITEM), dtype=jnp.float32) * 0.02).at[0].set(0.0)
    T_category = (jax.random.normal(k5, (V_CAT, D_CAT), dtype=jnp.float32) * 0.02).at[0].set(0.0)
    T_brand = (jax.random.normal(k6, (V_BRAND, D_BRAND), dtype=jnp.float32) * 0.02).at[0].set(0.0)
    return {"item": item, "category": category, "brand": brand,
            "T_item": T_item, "T_category": T_category, "T_brand": T_brand}


def reference(item, category, brand, T_item, T_category, T_brand):
    # per-feature embedding lookup (nn.Embedding -> table gather)
    e_item = jnp.take(T_item, item, axis=0)          # [B, L, 64]
    e_category = jnp.take(T_category, category, axis=0)  # [B, L, 32]
    e_brand = jnp.take(T_brand, brand, axis=0)       # [B, L, 32]
    # torch.cat(embs, dim=2)
    embs = jnp.concatenate([e_item, e_category, e_brand], axis=2)  # [B, L, 128]
    # dropout is identity in eval mode; omitted for a deterministic reference
    return embs

if __name__ == "__main__":
    import jax
    _d = setup_inputs()
    print(jax.jit(kernel)(*tuple(_d.values())))

</pallas_src>

<mosaic_0001>
#map = affine_map<(d0, d1) -> (0)>
#map1 = affine_map<(d0, d1) -> (0, 0)>
module attributes {stable_mosaic.version = 14 : i64} {
  func.func @_embed_sc(%arg0: i32, %arg1: i32, %arg2: memref<819200xi32, #tpu.memory_space<hbm>>, %arg3: memref<819200xi32, #tpu.memory_space<hbm>>, %arg4: memref<819200xi32, #tpu.memory_space<hbm>>, %arg5: memref<100000x128xf32, #tpu.memory_space<hbm>>, %arg6: memref<1000x128xf32, #tpu.memory_space<hbm>>, %arg7: memref<100000x128xf32, #tpu.memory_space<hbm>>, %arg8: memref<819200x128xf32, #tpu.memory_space<hbm>>, %arg9: memref<128xi32, #tpu.memory_space<vmem>>, %arg10: memref<128xi32, #tpu.memory_space<vmem>>, %arg11: memref<128xi32, #tpu.memory_space<vmem>>, %arg12: memref<128xi32, #tpu.memory_space<vmem>>, %arg13: memref<128xi32, #tpu.memory_space<vmem>>, %arg14: memref<128xi32, #tpu.memory_space<vmem>>, %arg15: memref<128xi32, #tpu.memory_space<vmem>>, %arg16: memref<128xi32, #tpu.memory_space<vmem>>, %arg17: memref<128xi32, #tpu.memory_space<vmem>>, %arg18: memref<128xi32, #tpu.memory_space<vmem>>, %arg19: memref<128xi32, #tpu.memory_space<vmem>>, %arg20: memref<128xi32, #tpu.memory_space<vmem>>, %arg21: memref<128xi32, #tpu.memory_space<vmem>>, %arg22: memref<128xi32, #tpu.memory_space<vmem>>, %arg23: memref<128xi32, #tpu.memory_space<vmem>>, %arg24: memref<128x128xf32, #tpu.memory_space<vmem>>, %arg25: memref<128x128xf32, #tpu.memory_space<vmem>>, %arg26: memref<128x128xf32, #tpu.memory_space<vmem>>, %arg27: memref<128x128xf32, #tpu.memory_space<vmem>>, %arg28: memref<128x128xf32, #tpu.memory_space<vmem>>, %arg29: memref<!tpu.dma_semaphore, #tpu.memory_space<semaphore_mem>>, %arg30: memref<!tpu.dma_semaphore, #tpu.memory_space<semaphore_mem>>, %arg31: memref<!tpu.dma_semaphore, #tpu.memory_space<semaphore_mem>>, %arg32: memref<!tpu.dma_semaphore, #tpu.memory_space<semaphore_mem>>, %arg33: memref<!tpu.dma_semaphore, #tpu.memory_space<semaphore_mem>>, %arg34: memref<!tpu.dma_semaphore, #tpu.memory_space<semaphore_mem>>, %arg35: memref<!tpu.dma_semaphore, #tpu.memory_space<semaphore_mem>>, %arg36: memref<!tpu.dma_semaphore, #tpu.memory_space<semaphore_mem>>, %arg37: memref<!tpu.dma_semaphore, #tpu.memory_space<semaphore_mem>>, %arg38: memref<!tpu.dma_semaphore, #tpu.memory_space<semaphore_mem>>, %arg39: memref<!tpu.dma_semaphore, #tpu.memory_space<semaphore_mem>>, %arg40: memref<!tpu.dma_semaphore, #tpu.memory_space<semaphore_mem>>, %arg41: memref<!tpu.dma_semaphore, #tpu.memory_space<semaphore_mem>>, %arg42: memref<!tpu.dma_semaphore, #tpu.memory_space<semaphore_mem>>, %arg43: memref<!tpu.dma_semaphore, #tpu.memory_space<semaphore_mem>>, %arg44: memref<!tpu.dma_semaphore, #tpu.memory_space<semaphore_mem>>, %arg45: memref<!tpu.dma_semaphore, #tpu.memory_space<semaphore_mem>>, %arg46: memref<!tpu.dma_semaphore, #tpu.memory_space<semaphore_mem>>, %arg47: memref<!tpu.dma_semaphore, #tpu.memory_space<semaphore_mem>>, %arg48: memref<!tpu.dma_semaphore, #tpu.memory_space<semaphore_mem>>) attributes {dimension_semantics = [#tpu.dimension_semantics<core_parallel>, #tpu.dimension_semantics<subcore_parallel>], iteration_bounds = array<i64: 2, 16>, scalar_prefetch = 0 : i64, scratch_operands = 40 : i64, tpu.core_type = #tpu.core_type<sc_vector_subcore>, window_params = [{transform_indices = #map}, {transform_indices = #map}, {transform_indices = #map}, {transform_indices = #map1}, {transform_indices = #map1}, {transform_indices = #map1}, {transform_indices = #map1}]} {
    %mul3A = arith.constant 2 : i32
    %mul3A_0 = arith.muli %arg1, %mul3A : i32
    %add3A = arith.addi %mul3A_0, %arg0 : i32
    %mul3A_1 = arith.constant 25600 : i32
    %mul3A_2 = arith.muli %add3A, %mul3A_1 : i32
    %add3A_3 = arith.constant 0 : i32
    %add3A_4 = arith.addi %mul3A_2, %add3A_3 : i32
    %add3A_5 = arith.constant 128 : i32
    %add3A_6 = arith.addi %mul3A_2, %add3A_5 : i32
    %add3A_7 = arith.constant 256 : i32
    %add3A_8 = arith.addi %mul3A_2, %add3A_7 : i32
    %add3A_9 = arith.constant 384 : i32
    %add3A_10 = arith.addi %mul3A_2, %add3A_9 : i32
    %add3A_11 = arith.constant 512 : i32
    %add3A_12 = arith.addi %mul3A_2, %add3A_11 : i32
    %dma_start3A = tpu.memref_slice %arg2[%add3A_4] : memref<819200xi32, #tpu.memory_space<hbm>> -> memref<128xi32, #tpu.memory_space<hbm>>
    %dma_start3A_13 = tpu.memref_slice %arg2[%add3A_4] : memref<819200xi32, #tpu.memory_space<hbm>> -> memref<128xi32, #tpu.memory_space<hbm>>
    tpu.enqueue_dma source(%dma_start3A_13 : memref<128xi32, #tpu.memory_space<hbm>>) target(%arg9 : memref<128xi32, #tpu.memory_space<vmem>>) target_semaphore(%arg29 : memref<!tpu.dma_semaphore, #tpu.memory_space<semaphore_mem>>)
    %dma_start3A_14 = tpu.memref_slice %arg3[%add3A_4] : memref<819200xi32, #tpu.memory_space<hbm>> -> memref<128xi32, #tpu.memory_space<hbm>>
    %dma_start3A_15 = tpu.memref_slice %arg3[%add3A_4] : memref<819200xi32, #tpu.memory_space<hbm>> -> memref<128xi32, #tpu.memory_space<hbm>>
    tpu.enqueue_dma source(%dma_start3A_15 : memref<128xi32, #tpu.memory_space<hbm>>) target(%arg14 : memref<128xi32, #tpu.memory_space<vmem>>) target_semaphore(%arg29 : memref<!tpu.dma_semaphore, #tpu.memory_space<semaphore_mem>>)
    %dma_start3A_16 = tpu.memref_slice %arg4[%add3A_4] : memref<819200xi32, #tpu.memory_space<hbm>> -> memref<128xi32, #tpu.memory_space<hbm>>
    %dma_start3A_17 = tpu.memref_slice %arg4[%add3A_4] : memref<819200xi32, #tpu.memory_space<hbm>> -> memref<128xi32, #tpu.memory_space<hbm>>
    tpu.enqueue_dma source(%dma_start3A_17 : memref<128xi32, #tpu.memory_space<hbm>>) target(%arg19 : memref<128xi32, #tpu.memory_space<vmem>>) target_semaphore(%arg29 : memref<!tpu.dma_semaphore, #tpu.memory_space<semaphore_mem>>)
    %dma_start3A_18 = tpu.memref_slice %arg2[%add3A_6] : memref<819200xi32, #tpu.memory_space<hbm>> -> memref<128xi32, #tpu.memory_space<hbm>>
    %dma_start3A_19 = tpu.memref_slice %arg2[%add3A_6] : memref<819200xi32, #tpu.memory_space<hbm>> -> memref<128xi32, #tpu.memory_space<hbm>>
    tpu.enqueue_dma source(%dma_start3A_19 : memref<128xi32, #tpu.memory_space<hbm>>) target(%arg10 : memref<128xi32, #tpu.memory_space<vmem>>) target_semaphore(%arg30 : memref<!tpu.dma_semaphore, #tpu.memory_space<semaphore_mem>>)
    %dma_start3A_20 = tpu.memref_slice %arg3[%add3A_6] : memref<819200xi32, #tpu.memory_space<hbm>> -> memref<128xi32, #tpu.memory_space<hbm>>
    %dma_start3A_21 = tpu.memref_slice %arg3[%add3A_6] : memref<819200xi32, #tpu.memory_space<hbm>> -> memref<128xi32, #tpu.memory_space<hbm>>
    tpu.enqueue_dma source(%dma_start3A_21 : memref<128xi32, #tpu.memory_space<hbm>>) target(%arg15 : memref<128xi32, #tpu.memory_space<vmem>>) target_semaphore(%arg30 : memref<!tpu.dma_semaphore, #tpu.memory_space<semaphore_mem>>)
    %dma_start3A_22 = tpu.memref_slice %arg4[%add3A_6] : memref<819200xi32, #tpu.memory_space<hbm>> -> memref<128xi32, #tpu.memory_space<hbm>>
    %dma_start3A_23 = tpu.memref_slice %arg4[%add3A_6] : memref<819200xi32, #tpu.memory_space<hbm>> -> memref<128xi32, #tpu.memory_space<hbm>>
    tpu.enqueue_dma source(%dma_start3A_23 : memref<128xi32, #tpu.memory_space<hbm>>) target(%arg20 : memref<128xi32, #tpu.memory_space<vmem>>) target_semaphore(%arg30 : memref<!tpu.dma_semaphore, #tpu.memory_space<semaphore_mem>>)
    %dma_start3A_24 = tpu.memref_slice %arg2[%add3A_8] : memref<819200xi32, #tpu.memory_space<hbm>> -> memref<128xi32, #tpu.memory_space<hbm>>
    %dma_start3A_25 = tpu.memref_slice %arg2[%add3A_8] : memref<819200xi32, #tpu.memory_space<hbm>> -> memref<128xi32, #tpu.memory_space<hbm>>
    tpu.enqueue_dma source(%dma_start3A_25 : memref<128xi32, #tpu.memory_space<hbm>>) target(%arg11 : memref<128xi32, #tpu.memory_space<vmem>>) target_semaphore(%arg31 : memref<!tpu.dma_semaphore, #tpu.memory_space<semaphore_mem>>)
    %dma_start3A_26 = tpu.memref_slice %arg3[%add3A_8] : memref<819200xi32, #tpu.memory_space<hbm>> -> memref<128xi32, #tpu.memory_space<hbm>>
    %dma_start3A_27 = tpu.memref_slice %arg3[%add3A_8] : memref<819200xi32, #tpu.memory_space<hbm>> -> memref<128xi32, #tpu.memory_space<hbm>>
    tpu.enqueue_dma source(%dma_start3A_27 : memref<128xi32, #tpu.memory_space<hbm>>) target(%arg16 : memref<128xi32, #tpu.memory_space<vmem>>) target_semaphore(%arg31 : memref<!tpu.dma_semaphore, #tpu.memory_space<semaphore_mem>>)
    %dma_start3A_28 = tpu.memref_slice %arg4[%add3A_8] : memref<819200xi32, #tpu.memory_space<hbm>> -> memref<128xi32, #tpu.memory_space<hbm>>
    %dma_start3A_29 = tpu.memref_slice %arg4[%add3A_8] : memref<819200xi32, #tpu.memory_space<hbm>> -> memref<128xi32, #tpu.memory_space<hbm>>
    tpu.enqueue_dma source(%dma_start3A_29 : memref<128xi32, #tpu.memory_space<hbm>>) target(%arg21 : memref<128xi32, #tpu.memory_space<vmem>>) target_semaphore(%arg31 : memref<!tpu.dma_semaphore, #tpu.memory_space<semaphore_mem>>)
    %dma_start3A_30 = tpu.memref_slice %arg2[%add3A_10] : memref<819200xi32, #tpu.memory_space<hbm>> -> memref<128xi32, #tpu.memory_space<hbm>>
    %dma_start3A_31 = tpu.memref_slice %arg2[%add3A_10] : memref<819200xi32, #tpu.memory_space<hbm>> -> memref<128xi32, #tpu.memory_space<hbm>>
    tpu.enqueue_dma source(%dma_start3A_31 : memref<128xi32, #tpu.memory_space<hbm>>) target(%arg12 : memref<128xi32, #tpu.memory_space<vmem>>) target_semaphore(%arg32 : memref<!tpu.dma_semaphore, #tpu.memory_space<semaphore_mem>>)
    %dma_start3A_32 = tpu.memref_slice %arg3[%add3A_10] : memref<819200xi32, #tpu.memory_space<hbm>> -> memref<128xi32, #tpu.memory_space<hbm>>
    %dma_start3A_33 = tpu.memref_slice %arg3[%add3A_10] : memref<819200xi32, #tpu.memory_space<hbm>> -> memref<128xi32, #tpu.memory_space<hbm>>
    tpu.enqueue_dma source(%dma_start3A_33 : memref<128xi32, #tpu.memory_space<hbm>>) target(%arg17 : memref<128xi32, #tpu.memory_space<vmem>>) target_semaphore(%arg32 : memref<!tpu.dma_semaphore, #tpu.memory_space<semaphore_mem>>)
    %dma_start3A_34 = tpu.memref_slice %arg4[%add3A_10] : memref<819200xi32, #tpu.memory_space<hbm>> -> memref<128xi32, #tpu.memory_space<hbm>>
    %dma_start3A_35 = tpu.memref_slice %arg4[%add3A_10] : memref<819200xi32, #tpu.memory_space<hbm>> -> memref<128xi32, #tpu.memory_space<hbm>>
    tpu.enqueue_dma source(%dma_start3A_35 : memref<128xi32, #tpu.memory_space<hbm>>) target(%arg22 : memref<128xi32, #tpu.memory_space<vmem>>) target_semaphore(%arg32 : memref<!tpu.dma_semaphore, #tpu.memory_space<semaphore_mem>>)
    %dma_start3A_36 = tpu.memref_slice %arg2[%add3A_12] : memref<819200xi32, #tpu.memory_space<hbm>> -> memref<128xi32, #tpu.memory_space<hbm>>
    %dma_start3A_37 = tpu.memref_slice %arg2[%add3A_12] : memref<819200xi32, #tpu.memory_space<hbm>> -> memref<128xi32, #tpu.memory_space<hbm>>
    tpu.enqueue_dma source(%dma_start3A_37 : memref<128xi32, #tpu.memory_space<hbm>>) target(%arg13 : memref<128xi32, #tpu.memory_space<vmem>>) target_semaphore(%arg33 : memref<!tpu.dma_semaphore, #tpu.memory_space<semaphore_mem>>)
    %dma_start3A_38 = tpu.memref_slice %arg3[%add3A_12] : memref<819200xi32, #tpu.memory_space<hbm>> -> memref<128xi32, #tpu.memory_space<hbm>>
    %dma_start3A_39 = tpu.memref_slice %arg3[%add3A_12] : memref<819200xi32, #tpu.memory_space<hbm>> -> memref<128xi32, #tpu.memory_space<hbm>>
    tpu.enqueue_dma source(%dma_start3A_39 : memref<128xi32, #tpu.memory_space<hbm>>) target(%arg18 : memref<128xi32, #tpu.memory_space<vmem>>) target_semaphore(%arg33 : memref<!tpu.dma_semaphore, #tpu.memory_space<semaphore_mem>>)
    %dma_start3A_40 = tpu.memref_slice %arg4[%add3A_12] : memref<819200xi32, #tpu.memory_space<hbm>> -> memref<128xi32, #tpu.memory_space<hbm>>
    %dma_start3A_41 = tpu.memref_slice %arg4[%add3A_12] : memref<819200xi32, #tpu.memory_space<hbm>> -> memref<128xi32, #tpu.memory_space<hbm>>
    tpu.enqueue_dma source(%dma_start3A_41 : memref<128xi32, #tpu.memory_space<hbm>>) target(%arg23 : memref<128xi32, #tpu.memory_space<vmem>>) target_semaphore(%arg33 : memref<!tpu.dma_semaphore, #tpu.memory_space<semaphore_mem>>)
    %dma_wait3A = tpu.memref_slice %arg2[%add3A_4] : memref<819200xi32, #tpu.memory_space<hbm>> -> memref<128xi32, #tpu.memory_space<hbm>>
    %dma_wait3A_42 = tpu.memref_slice %arg2[%add3A_4] : memref<819200xi32, #tpu.memory_space<hbm>> -> memref<128xi32, #tpu.memory_space<hbm>>
    tpu.wait_dma2 semaphore(%arg29 : memref<!tpu.dma_semaphore, #tpu.memory_space<semaphore_mem>>) src(%dma_wait3A_42 : memref<128xi32, #tpu.memory_space<hbm>>) dst(%arg9 : memref<128xi32, #tpu.memory_space<vmem>>)
    %dma_wait3A_43 = tpu.memref_slice %arg3[%add3A_4] : memref<819200xi32, #tpu.memory_space<hbm>> -> memref<128xi32, #tpu.memory_space<hbm>>
    %dma_wait3A_44 = tpu.memref_slice %arg3[%add3A_4] : memref<819200xi32, #tpu.memory_space<hbm>> -> memref<128xi32, #tpu.memory_space<hbm>>
    tpu.wait_dma2 semaphore(%arg29 : memref<!tpu.dma_semaphore, #tpu.memory_space<semaphore_mem>>) src(%dma_wait3A_44 : memref<128xi32, #tpu.memory_space<hbm>>) dst(%arg14 : memref<128xi32, #tpu.memory_space<vmem>>)
    %dma_wait3A_45 = tpu.memref_slice %arg4[%add3A_4] : memref<819200xi32, #tpu.memory_space<hbm>> -> memref<128xi32, #tpu.memory_space<hbm>>
    %dma_wait3A_46 = tpu.memref_slice %arg4[%add3A_4] : memref<819200xi32, #tpu.memory_space<hbm>> -> memref<128xi32, #tpu.memory_space<hbm>>
    tpu.wait_dma2 semaphore(%arg29 : memref<!tpu.dma_semaphore, #tpu.memory_space<semaphore_mem>>) src(%dma_wait3A_46 : memref<128xi32, #tpu.memory_space<hbm>>) dst(%arg19 : memref<128xi32, #tpu.memory_space<vmem>>)
    %dma_start3A_47 = arith.constant 0 : i32
    %dma_start3A_48 = arith.constant 0 : i32
    %dma_start3A_49 = tpu.memref_slice %arg5[%dma_start3A_47, %dma_start3A_48] : memref<100000x128xf32, #tpu.memory_space<hbm>> -> memref<100000x128xf32, #tpu.memory_space<hbm>>
    tpu.enqueue_indirect_dma source(%dma_start3A_49 : memref<100000x128xf32, #tpu.memory_space<hbm>>) target(%arg24 : memref<128x128xf32, #tpu.memory_space<vmem>>) offsets(%arg9 : memref<128xi32, #tpu.memory_space<vmem>>) semaphore(%arg34 : memref<!tpu.dma_semaphore, #tpu.memory_space<semaphore_mem>>)
    %dma_wait3A_50 = tpu.memref_slice %arg2[%add3A_6] : memref<819200xi32, #tpu.memory_space<hbm>> -> memref<128xi32, #tpu.memory_space<hbm>>
    %dma_wait3A_51 = tpu.memref_slice %arg2[%add3A_6] : memref<819200xi32, #tpu.memory_space<hbm>> -> memref<128xi32, #tpu.memory_space<hbm>>
    tpu.wait_dma2 semaphore(%arg30 : memref<!tpu.dma_semaphore, #tpu.memory_space<semaphore_mem>>) src(%dma_wait3A_51 : memref<128xi32, #tpu.memory_space<hbm>>) dst(%arg10 : memref<128xi32, #tpu.memory_space<vmem>>)
    %dma_wait3A_52 = tpu.memref_slice %arg3[%add3A_6] : memref<819200xi32, #tpu.memory_space<hbm>> -> memref<128xi32, #tpu.memory_space<hbm>>
    %dma_wait3A_53 = tpu.memref_slice %arg3[%add3A_6] : memref<819200xi32, #tpu.memory_space<hbm>> -> memref<128xi32, #tpu.memory_space<hbm>>
    tpu.wait_dma2 semaphore(%arg30 : memref<!tpu.dma_semaphore, #tpu.memory_space<semaphore_mem>>) src(%dma_wait3A_53 : memref<128xi32, #tpu.memory_space<hbm>>) dst(%arg15 : memref<128xi32, #tpu.memory_space<vmem>>)
    %dma_wait3A_54 = tpu.memref_slice %arg4[%add3A_6] : memref<819200xi32, #tpu.memory_space<hbm>> -> memref<128xi32, #tpu.memory_space<hbm>>
    %dma_wait3A_55 = tpu.memref_slice %arg4[%add3A_6] : memref<819200xi32, #tpu.memory_space<hbm>> -> memref<128xi32, #tpu.memory_space<hbm>>
    tpu.wait_dma2 semaphore(%arg30 : memref<!tpu.dma_semaphore, #tpu.memory_space<semaphore_mem>>) src(%dma_wait3A_55 : memref<128xi32, #tpu.memory_space<hbm>>) dst(%arg20 : memref<128xi32, #tpu.memory_space<vmem>>)
    %dma_start3A_56 = arith.constant 0 : i32
    %dma_start3A_57 = arith.constant 0 : i32
    %dma_start3A_58 = tpu.memref_slice %arg5[%dma_start3A_56, %dma_start3A_57] : memref<100000x128xf32, #tpu.memory_space<hbm>> -> memref<100000x128xf32, #tpu.memory_space<hbm>>
    tpu.enqueue_indirect_dma source(%dma_start3A_58 : memref<100000x128xf32, #tpu.memory_space<hbm>>) target(%arg25 : memref<128x128xf32, #tpu.memory_space<vmem>>) offsets(%arg10 : memref<128xi32, #tpu.memory_space<vmem>>) semaphore(%arg35 : memref<!tpu.dma_semaphore, #tpu.memory_space<semaphore_mem>>)
    %dma_wait3A_59 = tpu.memref_slice %arg2[%add3A_8] : memref<819200xi32, #tpu.memory_space<hbm>> -> memref<128xi32, #tpu.memory_space<hbm>>
    %dma_wait3A_60 = tpu.memref_slice %arg2[%add3A_8] : memref<819200xi32, #tpu.memory_space<hbm>> -> memref<128xi32, #tpu.memory_space<hbm>>
    tpu.wait_dma2 semaphore(%arg31 : memref<!tpu.dma_semaphore, #tpu.memory_space<semaphore_mem>>) src(%dma_wait3A_60 : memref<128xi32, #tpu.memory_space<hbm>>) dst(%arg11 : memref<128xi32, #tpu.memory_space<vmem>>)
    %dma_wait3A_61 = tpu.memref_slice %arg3[%add3A_8] : memref<819200xi32, #tpu.memory_space<hbm>> -> memref<128xi32, #tpu.memory_space<hbm>>
    %dma_wait3A_62 = tpu.memref_slice %arg3[%add3A_8] : memref<819200xi32, #tpu.memory_space<hbm>> -> memref<128xi32, #tpu.memory_space<hbm>>
    tpu.wait_dma2 semaphore(%arg31 : memref<!tpu.dma_semaphore, #tpu.memory_space<semaphore_mem>>) src(%dma_wait3A_62 : memref<128xi32, #tpu.memory_space<hbm>>) dst(%arg16 : memref<128xi32, #tpu.memory_space<vmem>>)
    %dma_wait3A_63 = tpu.memref_slice %arg4[%add3A_8] : memref<819200xi32, #tpu.memory_space<hbm>> -> memref<128xi32, #tpu.memory_space<hbm>>
    %dma_wait3A_64 = tpu.memref_slice %arg4[%add3A_8] : memref<819200xi32, #tpu.memory_space<hbm>> -> memref<128xi32, #tpu.memory_space<hbm>>
    tpu.wait_dma2 semaphore(%arg31 : memref<!tpu.dma_semaphore, #tpu.memory_space<semaphore_mem>>) src(%dma_wait3A_64 : memref<128xi32, #tpu.memory_space<hbm>>) dst(%arg21 : memref<128xi32, #tpu.memory_space<vmem>>)
    %dma_start3A_65 = arith.constant 0 : i32
    %dma_start3A_66 = arith.constant 0 : i32
    %dma_start3A_67 = tpu.memref_slice %arg5[%dma_start3A_65, %dma_start3A_66] : memref<100000x128xf32, #tpu.memory_space<hbm>> -> memref<100000x128xf32, #tpu.memory_space<hbm>>
    tpu.enqueue_indirect_dma source(%dma_start3A_67 : memref<100000x128xf32, #tpu.memory_space<hbm>>) target(%arg26 : memref<128x128xf32, #tpu.memory_space<vmem>>) offsets(%arg11 : memref<128xi32, #tpu.memory_space<vmem>>) semaphore(%arg36 : memref<!tpu.dma_semaphore, #tpu.memory_space<semaphore_mem>>)
    %dma_wait3A_68 = tpu.memref_slice %arg2[%add3A_10] : memref<819200xi32, #tpu.memory_space<hbm>> -> memref<128xi32, #tpu.memory_space<hbm>>
    %dma_wait3A_69 = tpu.memref_slice %arg2[%add3A_10] : memref<819200xi32, #tpu.memory_space<hbm>> -> memref<128xi32, #tpu.memory_space<hbm>>
    tpu.wait_dma2 semaphore(%arg32 : memref<!tpu.dma_semaphore, #tpu.memory_space<semaphore_mem>>) src(%dma_wait3A_69 : memref<128xi32, #tpu.memory_space<hbm>>) dst(%arg12 : memref<128xi32, #tpu.memory_space<vmem>>)
    %dma_wait3A_70 = tpu.memref_slice %arg3[%add3A_10] : memref<819200xi32, #tpu.memory_space<hbm>> -> memref<128xi32, #tpu.memory_space<hbm>>
    %dma_wait3A_71 = tpu.memref_slice %arg3[%add3A_10] : memref<819200xi32, #tpu.memory_space<hbm>> -> memref<128xi32, #tpu.memory_space<hbm>>
    tpu.wait_dma2 semaphore(%arg32 : memref<!tpu.dma_semaphore, #tpu.memory_space<semaphore_mem>>) src(%dma_wait3A_71 : memref<128xi32, #tpu.memory_space<hbm>>) dst(%arg17 : memref<128xi32, #tpu.memory_space<vmem>>)
    %dma_wait3A_72 = tpu.memref_slice %arg4[%add3A_10] : memref<819200xi32, #tpu.memory_space<hbm>> -> memref<128xi32, #tpu.memory_space<hbm>>
    %dma_wait3A_73 = tpu.memref_slice %arg4[%add3A_10] : memref<819200xi32, #tpu.memory_space<hbm>> -> memref<128xi32, #tpu.memory_space<hbm>>
    tpu.wait_dma2 semaphore(%arg32 : memref<!tpu.dma_semaphore, #tpu.memory_space<semaphore_mem>>) src(%dma_wait3A_73 : memref<128xi32, #tpu.memory_space<hbm>>) dst(%arg22 : memref<128xi32, #tpu.memory_space<vmem>>)
    %dma_start3A_74 = arith.constant 0 : i32
    %dma_start3A_75 = arith.constant 0 : i32
    %dma_start3A_76 = tpu.memref_slice %arg5[%dma_start3A_74, %dma_start3A_75] : memref<100000x128xf32, #tpu.memory_space<hbm>> -> memref<100000x128xf32, #tpu.memory_space<hbm>>
    tpu.enqueue_indirect_dma source(%dma_start3A_76 : memref<100000x128xf32, #tpu.memory_space<hbm>>) target(%arg27 : memref<128x128xf32, #tpu.memory_space<vmem>>) offsets(%arg12 : memref<128xi32, #tpu.memory_space<vmem>>) semaphore(%arg37 : memref<!tpu.dma_semaphore, #tpu.memory_space<semaphore_mem>>)
    %dma_wait3A_77 = tpu.memref_slice %arg2[%add3A_12] : memref<819200xi32, #tpu.memory_space<hbm>> -> memref<128xi32, #tpu.memory_space<hbm>>
    %dma_wait3A_78 = tpu.memref_slice %arg2[%add3A_12] : memref<819200xi32, #tpu.memory_space<hbm>> -> memref<128xi32, #tpu.memory_space<hbm>>
    tpu.wait_dma2 semaphore(%arg33 : memref<!tpu.dma_semaphore, #tpu.memory_space<semaphore_mem>>) src(%dma_wait3A_78 : memref<128xi32, #tpu.memory_space<hbm>>) dst(%arg13 : memref<128xi32, #tpu.memory_space<vmem>>)
    %dma_wait3A_79 = tpu.memref_slice %arg3[%add3A_12] : memref<819200xi32, #tpu.memory_space<hbm>> -> memref<128xi32, #tpu.memory_space<hbm>>
    %dma_wait3A_80 = tpu.memref_slice %arg3[%add3A_12] : memref<819200xi32, #tpu.memory_space<hbm>> -> memref<128xi32, #tpu.memory_space<hbm>>
    tpu.wait_dma2 semaphore(%arg33 : memref<!tpu.dma_semaphore, #tpu.memory_space<semaphore_mem>>) src(%dma_wait3A_80 : memref<128xi32, #tpu.memory_space<hbm>>) dst(%arg18 : memref<128xi32, #tpu.memory_space<vmem>>)
    %dma_wait3A_81 = tpu.memref_slice %arg4[%add3A_12] : memref<819200xi32, #tpu.memory_space<hbm>> -> memref<128xi32, #tpu.memory_space<hbm>>
    %dma_wait3A_82 = tpu.memref_slice %arg4[%add3A_12] : memref<819200xi32, #tpu.memory_space<hbm>> -> memref<128xi32, #tpu.memory_space<hbm>>
    tpu.wait_dma2 semaphore(%arg33 : memref<!tpu.dma_semaphore, #tpu.memory_space<semaphore_mem>>) src(%dma_wait3A_82 : memref<128xi32, #tpu.memory_space<hbm>>) dst(%arg23 : memref<128xi32, #tpu.memory_space<vmem>>)
    %dma_start3A_83 = arith.constant 0 : i32
    %dma_start3A_84 = arith.constant 0 : i32
    %dma_start3A_85 = tpu.memref_slice %arg5[%dma_start3A_83, %dma_start3A_84] : memref<100000x128xf32, #tpu.memory_space<hbm>> -> memref<100000x128xf32, #tpu.memory_space<hbm>>
    tpu.enqueue_indirect_dma source(%dma_start3A_85 : memref<100000x128xf32, #tpu.memory_space<hbm>>) target(%arg28 : memref<128x128xf32, #tpu.memory_space<vmem>>) offsets(%arg13 : memref<128xi32, #tpu.memory_space<vmem>>) semaphore(%arg38 : memref<!tpu.dma_semaphore, #tpu.memory_space<semaphore_mem>>)
    %dma_wait3A_86 = arith.constant 0 : i32
    %dma_wait3A_87 = arith.constant 0 : i32
    %dma_wait3A_88 = tpu.memref_slice %arg5[%dma_wait3A_86, %dma_wait3A_87] : memref<100000x128xf32, #tpu.memory_space<hbm>> -> memref<100000x128xf32, #tpu.memory_space<hbm>>
    tpu.wait_indirect_dma semaphore(%arg34 : memref<!tpu.dma_semaphore, #tpu.memory_space<semaphore_mem>>) src(%dma_wait3A_88 : memref<100000x128xf32, #tpu.memory_space<hbm>>) dst(%arg24 : memref<128x128xf32, #tpu.memory_space<vmem>>)
    %dma_start3A_89 = arith.constant 0 : i32
    %dma_start3A_90 = arith.constant 0 : i32
    %dma_start3A_91 = tpu.memref_slice %arg6[%dma_start3A_89, %dma_start3A_90] : memref<1000x128xf32, #tpu.memory_space<hbm>> -> memref<1000x128xf32, #tpu.memory_space<hbm>>
    tpu.enqueue_indirect_dma source(%dma_start3A_91 : memref<1000x128xf32, #tpu.memory_space<hbm>>) target(%arg24 : memref<128x128xf32, #tpu.memory_space<vmem>>) offsets(%arg14 : memref<128xi32, #tpu.memory_space<vmem>>) semaphore(%arg39 : memref<!tpu.dma_semaphore, #tpu.memory_space<semaphore_mem>>) {add = true}
    %dma_start3A_92 = arith.constant 0 : i32
    %dma_start3A_93 = arith.constant 0 : i32
    %dma_start3A_94 = tpu.memref_slice %arg7[%dma_start3A_92, %dma_start3A_93] : memref<100000x128xf32, #tpu.memory_space<hbm>> -> memref<100000x128xf32, #tpu.memory_space<hbm>>
    tpu.enqueue_indirect_dma source(%dma_start3A_94 : memref<100000x128xf32, #tpu.memory_space<hbm>>) target(%arg24 : memref<128x128xf32, #tpu.memory_space<vmem>>) offsets(%arg19 : memref<128xi32, #tpu.memory_space<vmem>>) semaphore(%arg39 : memref<!tpu.dma_semaphore, #tpu.memory_space<semaphore_mem>>) {add = true}
    %dma_wait3A_95 = arith.constant 0 : i32
    %dma_wait3A_96 = arith.constant 0 : i32
    %dma_wait3A_97 = tpu.memref_slice %arg5[%dma_wait3A_95, %dma_wait3A_96] : memref<100000x128xf32, #tpu.memory_space<hbm>> -> memref<100000x128xf32, #tpu.memory_space<hbm>>
    tpu.wait_indirect_dma semaphore(%arg35 : memref<!tpu.dma_semaphore, #tpu.memory_space<semaphore_mem>>) src(%dma_wait3A_97 : memref<100000x128xf32, #tpu.memory_space<hbm>>) dst(%arg25 : memref<128x128xf32, #tpu.memory_space<vmem>>)
    %dma_start3A_98 = arith.constant 0 : i32
    %dma_start3A_99 = arith.constant 0 : i32
    %dma_start3A_100 = tpu.memref_slice %arg6[%dma_start3A_98, %dma_start3A_99] : memref<1000x128xf32, #tpu.memory_space<hbm>> -> memref<1000x128xf32, #tpu.memory_space<hbm>>
    tpu.enqueue_indirect_dma source(%dma_start3A_100 : memref<1000x128xf32, #tpu.memory_space<hbm>>) target(%arg25 : memref<128x128xf32, #tpu.memory_space<vmem>>) offsets(%arg15 : memref<128xi32, #tpu.memory_space<vmem>>) semaphore(%arg40 : memref<!tpu.dma_semaphore, #tpu.memory_space<semaphore_mem>>) {add = true}
    %dma_start3A_101 = arith.constant 0 : i32
    %dma_start3A_102 = arith.constant 0 : i32
    %dma_start3A_103 = tpu.memref_slice %arg7[%dma_start3A_101, %dma_start3A_102] : memref<100000x128xf32, #tpu.memory_space<hbm>> -> memref<100000x128xf32, #tpu.memory_space<hbm>>
    tpu.enqueue_indirect_dma source(%dma_start3A_103 : memref<100000x128xf32, #tpu.memory_space<hbm>>) target(%arg25 : memref<128x128xf32, #tpu.memory_space<vmem>>) offsets(%arg20 : memref<128xi32, #tpu.memory_space<vmem>>) semaphore(%arg40 : memref<!tpu.dma_semaphore, #tpu.memory_space<semaphore_mem>>) {add = true}
    %dma_wait3A_104 = arith.constant 0 : i32
    %dma_wait3A_105 = arith.constant 0 : i32
    %dma_wait3A_106 = tpu.memref_slice %arg5[%dma_wait3A_104, %dma_wait3A_105] : memref<100000x128xf32, #tpu.memory_space<hbm>> -> memref<100000x128xf32, #tpu.memory_space<hbm>>
    tpu.wait_indirect_dma semaphore(%arg36 : memref<!tpu.dma_semaphore, #tpu.memory_space<semaphore_mem>>) src(%dma_wait3A_106 : memref<100000x128xf32, #tpu.memory_space<hbm>>) dst(%arg26 : memref<128x128xf32, #tpu.memory_space<vmem>>)
    %dma_start3A_107 = arith.constant 0 : i32
    %dma_start3A_108 = arith.constant 0 : i32
    %dma_start3A_109 = tpu.memref_slice %arg6[%dma_start3A_107, %dma_start3A_108] : memref<1000x128xf32, #tpu.memory_space<hbm>> -> memref<1000x128xf32, #tpu.memory_space<hbm>>
    tpu.enqueue_indirect_dma source(%dma_start3A_109 : memref<1000x128xf32, #tpu.memory_space<hbm>>) target(%arg26 : memref<128x128xf32, #tpu.memory_space<vmem>>) offsets(%arg16 : memref<128xi32, #tpu.memory_space<vmem>>) semaphore(%arg41 : memref<!tpu.dma_semaphore, #tpu.memory_space<semaphore_mem>>) {add = true}
    %dma_start3A_110 = arith.constant 0 : i32
    %dma_start3A_111 = arith.constant 0 : i32
    %dma_start3A_112 = tpu.memref_slice %arg7[%dma_start3A_110, %dma_start3A_111] : memref<100000x128xf32, #tpu.memory_space<hbm>> -> memref<100000x128xf32, #tpu.memory_space<hbm>>
    tpu.enqueue_indirect_dma source(%dma_start3A_112 : memref<100000x128xf32, #tpu.memory_space<hbm>>) target(%arg26 : memref<128x128xf32, #tpu.memory_space<vmem>>) offsets(%arg21 : memref<128xi32, #tpu.memory_space<vmem>>) semaphore(%arg41 : memref<!tpu.dma_semaphore, #tpu.memory_space<semaphore_mem>>) {add = true}
    %dma_wait3A_113 = arith.constant 0 : i32
    %dma_wait3A_114 = arith.constant 0 : i32
    %dma_wait3A_115 = tpu.memref_slice %arg5[%dma_wait3A_113, %dma_wait3A_114] : memref<100000x128xf32, #tpu.memory_space<hbm>> -> memref<100000x128xf32, #tpu.memory_space<hbm>>
    tpu.wait_indirect_dma semaphore(%arg37 : memref<!tpu.dma_semaphore, #tpu.memory_space<semaphore_mem>>) src(%dma_wait3A_115 : memref<100000x128xf32, #tpu.memory_space<hbm>>) dst(%arg27 : memref<128x128xf32, #tpu.memory_space<vmem>>)
    %dma_start3A_116 = arith.constant 0 : i32
    %dma_start3A_117 = arith.constant 0 : i32
    %dma_start3A_118 = tpu.memref_slice %arg6[%dma_start3A_116, %dma_start3A_117] : memref<1000x128xf32, #tpu.memory_space<hbm>> -> memref<1000x128xf32, #tpu.memory_space<hbm>>
    tpu.enqueue_indirect_dma source(%dma_start3A_118 : memref<1000x128xf32, #tpu.memory_space<hbm>>) target(%arg27 : memref<128x128xf32, #tpu.memory_space<vmem>>) offsets(%arg17 : memref<128xi32, #tpu.memory_space<vmem>>) semaphore(%arg42 : memref<!tpu.dma_semaphore, #tpu.memory_space<semaphore_mem>>) {add = true}
    %dma_start3A_119 = arith.constant 0 : i32
    %dma_start3A_120 = arith.constant 0 : i32
    %dma_start3A_121 = tpu.memref_slice %arg7[%dma_start3A_119, %dma_start3A_120] : memref<100000x128xf32, #tpu.memory_space<hbm>> -> memref<100000x128xf32, #tpu.memory_space<hbm>>
    tpu.enqueue_indirect_dma source(%dma_start3A_121 : memref<100000x128xf32, #tpu.memory_space<hbm>>) target(%arg27 : memref<128x128xf32, #tpu.memory_space<vmem>>) offsets(%arg22 : memref<128xi32, #tpu.memory_space<vmem>>) semaphore(%arg42 : memref<!tpu.dma_semaphore, #tpu.memory_space<semaphore_mem>>) {add = true}
    %dma_wait3A_122 = arith.constant 0 : i32
    %dma_wait3A_123 = arith.constant 0 : i32
    %dma_wait3A_124 = tpu.memref_slice %arg5[%dma_wait3A_122, %dma_wait3A_123] : memref<100000x128xf32, #tpu.memory_space<hbm>> -> memref<100000x128xf32, #tpu.memory_space<hbm>>
    tpu.wait_indirect_dma semaphore(%arg38 : memref<!tpu.dma_semaphore, #tpu.memory_space<semaphore_mem>>) src(%dma_wait3A_124 : memref<100000x128xf32, #tpu.memory_space<hbm>>) dst(%arg28 : memref<128x128xf32, #tpu.memory_space<vmem>>)
    %dma_start3A_125 = arith.constant 0 : i32
    %dma_start3A_126 = arith.constant 0 : i32
    %dma_start3A_127 = tpu.memref_slice %arg6[%dma_start3A_125, %dma_start3A_126] : memref<1000x128xf32, #tpu.memory_space<hbm>> -> memref<1000x128xf32, #tpu.memory_space<hbm>>
    tpu.enqueue_indirect_dma source(%dma_start3A_127 : memref<1000x128xf32, #tpu.memory_space<hbm>>) target(%arg28 : memref<128x128xf32, #tpu.memory_space<vmem>>) offsets(%arg18 : memref<128xi32, #tpu.memory_space<vmem>>) semaphore(%arg43 : memref<!tpu.dma_semaphore, #tpu.memory_space<semaphore_mem>>) {add = true}
    %dma_start3A_128 = arith.constant 0 : i32
    %dma_start3A_129 = arith.constant 0 : i32
    %dma_start3A_130 = tpu.memref_slice %arg7[%dma_start3A_128, %dma_start3A_129] : memref<100000x128xf32, #tpu.memory_space<hbm>> -> memref<100000x128xf32, #tpu.memory_space<hbm>>
    tpu.enqueue_indirect_dma source(%dma_start3A_130 : memref<100000x128xf32, #tpu.memory_space<hbm>>) target(%arg28 : memref<128x128xf32, #tpu.memory_space<vmem>>) offsets(%arg23 : memref<128xi32, #tpu.memory_space<vmem>>) semaphore(%arg43 : memref<!tpu.dma_semaphore, #tpu.memory_space<semaphore_mem>>) {add = true}
    %dma_wait3A_131 = arith.constant 0 : i32
    %dma_wait3A_132 = arith.constant 0 : i32
    %dma_wait3A_133 = tpu.memref_slice %arg6[%dma_wait3A_131, %dma_wait3A_132] : memref<1000x128xf32, #tpu.memory_space<hbm>> -> memref<1000x128xf32, #tpu.memory_space<hbm>>
    tpu.wait_indirect_dma semaphore(%arg39 : memref<!tpu.dma_semaphore, #tpu.memory_space<semaphore_mem>>) src(%dma_wait3A_133 : memref<1000x128xf32, #tpu.memory_space<hbm>>) dst(%arg24 : memref<128x128xf32, #tpu.memory_space<vmem>>)
    %dma_wait3A_134 = arith.constant 0 : i32
    %dma_wait3A_135 = arith.constant 0 : i32
    %dma_wait3A_136 = tpu.memref_slice %arg7[%dma_wait3A_134, %dma_wait3A_135] : memref<100000x128xf32, #tpu.memory_space<hbm>> -> memref<100000x128xf32, #tpu.memory_space<hbm>>
    tpu.wait_indirect_dma semaphore(%arg39 : memref<!tpu.dma_semaphore, #tpu.memory_space<semaphore_mem>>) src(%dma_wait3A_136 : memref<100000x128xf32, #tpu.memory_space<hbm>>) dst(%arg24 : memref<128x128xf32, #tpu.memory_space<vmem>>)
    %dma_start3A_137 = arith.constant 0 : i32
    %dma_start3A_138 = tpu.memref_slice %arg8[%add3A_4, %dma_start3A_137] : memref<819200x128xf32, #tpu.memory_space<hbm>> -> memref<128x128xf32, #tpu.memory_space<hbm>>
    %dma_start3A_139 = arith.constant 0 : i32
    %dma_start3A_140 = tpu.memref_slice %arg8[%add3A_4, %dma_start3A_139] : memref<819200x128xf32, #tpu.memory_space<hbm>> -> memref<128x128xf32, #tpu.memory_space<hbm>>
    tpu.enqueue_dma source(%arg24 : memref<128x128xf32, #tpu.memory_space<vmem>>) target(%dma_start3A_140 : memref<128x128xf32, #tpu.memory_space<hbm>>) target_semaphore(%arg44 : memref<!tpu.dma_semaphore, #tpu.memory_space<semaphore_mem>>)
    %dma_wait3A_141 = arith.constant 0 : i32
    %dma_wait3A_142 = arith.constant 0 : i32
    %dma_wait3A_143 = tpu.memref_slice %arg6[%dma_wait3A_141, %dma_wait3A_142] : memref<1000x128xf32, #tpu.memory_space<hbm>> -> memref<1000x128xf32, #tpu.memory_space<hbm>>
    tpu.wait_indirect_dma semaphore(%arg40 : memref<!tpu.dma_semaphore, #tpu.memory_space<semaphore_mem>>) src(%dma_wait3A_143 : memref<1000x128xf32, #tpu.memory_space<hbm>>) dst(%arg25 : memref<128x128xf32, #tpu.memory_space<vmem>>)
    %dma_wait3A_144 = arith.constant 0 : i32
    %dma_wait3A_145 = arith.constant 0 : i32
    %dma_wait3A_146 = tpu.memref_slice %arg7[%dma_wait3A_144, %dma_wait3A_145] : memref<100000x128xf32, #tpu.memory_space<hbm>> -> memref<100000x128xf32, #tpu.memory_space<hbm>>
    tpu.wait_indirect_dma semaphore(%arg40 : memref<!tpu.dma_semaphore, #tpu.memory_space<semaphore_mem>>) src(%dma_wait3A_146 : memref<100000x128xf32, #tpu.memory_space<hbm>>) dst(%arg25 : memref<128x128xf32, #tpu.memory_space<vmem>>)
    %dma_start3A_147 = arith.constant 0 : i32
    %dma_start3A_148 = tpu.memref_slice %arg8[%add3A_6, %dma_start3A_147] : memref<819200x128xf32, #tpu.memory_space<hbm>> -> memref<128x128xf32, #tpu.memory_space<hbm>>
    %dma_start3A_149 = arith.constant 0 : i32
    %dma_start3A_150 = tpu.memref_slice %arg8[%add3A_6, %dma_start3A_149] : memref<819200x128xf32, #tpu.memory_space<hbm>> -> memref<128x128xf32, #tpu.memory_space<hbm>>
    tpu.enqueue_dma source(%arg25 : memref<128x128xf32, #tpu.memory_space<vmem>>) target(%dma_start3A_150 : memref<128x128xf32, #tpu.memory_space<hbm>>) target_semaphore(%arg45 : memref<!tpu.dma_semaphore, #tpu.memory_space<semaphore_mem>>)
    %dma_wait3A_151 = arith.constant 0 : i32
    %dma_wait3A_152 = arith.constant 0 : i32
    %dma_wait3A_153 = tpu.memref_slice %arg6[%dma_wait3A_151, %dma_wait3A_152] : memref<1000x128xf32, #tpu.memory_space<hbm>> -> memref<1000x128xf32, #tpu.memory_space<hbm>>
    tpu.wait_indirect_dma semaphore(%arg41 : memref<!tpu.dma_semaphore, #tpu.memory_space<semaphore_mem>>) src(%dma_wait3A_153 : memref<1000x128xf32, #tpu.memory_space<hbm>>) dst(%arg26 : memref<128x128xf32, #tpu.memory_space<vmem>>)
    %dma_wait3A_154 = arith.constant 0 : i32
    %dma_wait3A_155 = arith.constant 0 : i32
    %dma_wait3A_156 = tpu.memref_slice %arg7[%dma_wait3A_154, %dma_wait3A_155] : memref<100000x128xf32, #tpu.memory_space<hbm>> -> memref<100000x128xf32, #tpu.memory_space<hbm>>
    tpu.wait_indirect_dma semaphore(%arg41 : memref<!tpu.dma_semaphore, #tpu.memory_space<semaphore_mem>>) src(%dma_wait3A_156 : memref<100000x128xf32, #tpu.memory_space<hbm>>) dst(%arg26 : memref<128x128xf32, #tpu.memory_space<vmem>>)
    %dma_start3A_157 = arith.constant 0 : i32
    %dma_start3A_158 = tpu.memref_slice %arg8[%add3A_8, %dma_start3A_157] : memref<819200x128xf32, #tpu.memory_space<hbm>> -> memref<128x128xf32, #tpu.memory_space<hbm>>
    %dma_start3A_159 = arith.constant 0 : i32
    %dma_start3A_160 = tpu.memref_slice %arg8[%add3A_8, %dma_start3A_159] : memref<819200x128xf32, #tpu.memory_space<hbm>> -> memref<128x128xf32, #tpu.memory_space<hbm>>
    tpu.enqueue_dma source(%arg26 : memref<128x128xf32, #tpu.memory_space<vmem>>) target(%dma_start3A_160 : memref<128x128xf32, #tpu.memory_space<hbm>>) target_semaphore(%arg46 : memref<!tpu.dma_semaphore, #tpu.memory_space<semaphore_mem>>)
    %dma_wait3A_161 = arith.constant 0 : i32
    %dma_wait3A_162 = arith.constant 0 : i32
    %dma_wait3A_163 = tpu.memref_slice %arg6[%dma_wait3A_161, %dma_wait3A_162] : memref<1000x128xf32, #tpu.memory_space<hbm>> -> memref<1000x128xf32, #tpu.memory_space<hbm>>
    tpu.wait_indirect_dma semaphore(%arg42 : memref<!tpu.dma_semaphore, #tpu.memory_space<semaphore_mem>>) src(%dma_wait3A_163 : memref<1000x128xf32, #tpu.memory_space<hbm>>) dst(%arg27 : memref<128x128xf32, #tpu.memory_space<vmem>>)
    %dma_wait3A_164 = arith.constant 0 : i32
    %dma_wait3A_165 = arith.constant 0 : i32
    %dma_wait3A_166 = tpu.memref_slice %arg7[%dma_wait3A_164, %dma_wait3A_165] : memref<100000x128xf32, #tpu.memory_space<hbm>> -> memref<100000x128xf32, #tpu.memory_space<hbm>>
    tpu.wait_indirect_dma semaphore(%arg42 : memref<!tpu.dma_semaphore, #tpu.memory_space<semaphore_mem>>) src(%dma_wait3A_166 : memref<100000x128xf32, #tpu.memory_space<hbm>>) dst(%arg27 : memref<128x128xf32, #tpu.memory_space<vmem>>)
    %dma_start3A_167 = arith.constant 0 : i32
    %dma_start3A_168 = tpu.memref_slice %arg8[%add3A_10, %dma_start3A_167] : memref<819200x128xf32, #tpu.memory_space<hbm>> -> memref<128x128xf32, #tpu.memory_space<hbm>>
    %dma_start3A_169 = arith.constant 0 : i32
    %dma_start3A_170 = tpu.memref_slice %arg8[%add3A_10, %dma_start3A_169] : memref<819200x128xf32, #tpu.memory_space<hbm>> -> memref<128x128xf32, #tpu.memory_space<hbm>>
    tpu.enqueue_dma source(%arg27 : memref<128x128xf32, #tpu.memory_space<vmem>>) target(%dma_start3A_170 : memref<128x128xf32, #tpu.memory_space<hbm>>) target_semaphore(%arg47 : memref<!tpu.dma_semaphore, #tpu.memory_space<semaphore_mem>>)
    %dma_wait3A_171 = arith.constant 0 : i32
    %dma_wait3A_172 = arith.constant 0 : i32
    %dma_wait3A_173 = tpu.memref_slice %arg6[%dma_wait3A_171, %dma_wait3A_172] : memref<1000x128xf32, #tpu.memory_space<hbm>> -> memref<1000x128xf32, #tpu.memory_space<hbm>>
    tpu.wait_indirect_dma semaphore(%arg43 : memref<!tpu.dma_semaphore, #tpu.memory_space<semaphore_mem>>) src(%dma_wait3A_173 : memref<1000x128xf32, #tpu.memory_space<hbm>>) dst(%arg28 : memref<128x128xf32, #tpu.memory_space<vmem>>)
    %dma_wait3A_174 = arith.constant 0 : i32
    %dma_wait3A_175 = arith.constant 0 : i32
    %dma_wait3A_176 = tpu.memref_slice %arg7[%dma_wait3A_174, %dma_wait3A_175] : memref<100000x128xf32, #tpu.memory_space<hbm>> -> memref<100000x128xf32, #tpu.memory_space<hbm>>
    tpu.wait_indirect_dma semaphore(%arg43 : memref<!tpu.dma_semaphore, #tpu.memory_space<semaphore_mem>>) src(%dma_wait3A_176 : memref<100000x128xf32, #tpu.memory_space<hbm>>) dst(%arg28 : memref<128x128xf32, #tpu.memory_space<vmem>>)
    %dma_start3A_177 = arith.constant 0 : i32
    %dma_start3A_178 = tpu.memref_slice %arg8[%add3A_12, %dma_start3A_177] : memref<819200x128xf32, #tpu.memory_space<hbm>> -> memref<128x128xf32, #tpu.memory_space<hbm>>
    %dma_start3A_179 = arith.constant 0 : i32
    %dma_start3A_180 = tpu.memref_slice %arg8[%add3A_12, %dma_start3A_179] : memref<819200x128xf32, #tpu.memory_space<hbm>> -> memref<128x128xf32, #tpu.memory_space<hbm>>
    tpu.enqueue_dma source(%arg28 : memref<128x128xf32, #tpu.memory_space<vmem>>) target(%dma_start3A_180 : memref<128x128xf32, #tpu.memory_space<hbm>>) target_semaphore(%arg48 : memref<!tpu.dma_semaphore, #tpu.memory_space<semaphore_mem>>)
    %scan3A = arith.constant 0 : i32
    %scan3A_181 = arith.constant 1 : i32
    %scan3A_182 = arith.constant 39 : i32
    %scan3A_183 = arith.addi %scan3A_181, %scan3A_182 : i32
    %scan3A_184 = arith.constant 1 : i32
    scf.for %scan3A_218 = %scan3A_181 to %scan3A_183 step %scan3A_184  : i32 {
      %mul3A_219 = arith.constant 5 : i32
      %mul3A_220 = arith.muli %scan3A_218, %mul3A_219 : i32
      %mul3A_221 = arith.constant 128 : i32
      %mul3A_222 = arith.muli %mul3A_220, %mul3A_221 : i32
      %add3A_223 = arith.addi %mul3A_2, %mul3A_222 : i32
      %add3A_224 = arith.constant 0 : i32
      %add3A_225 = arith.addi %add3A_223, %add3A_224 : i32
      %add3A_226 = arith.constant 128 : i32
      %add3A_227 = arith.addi %add3A_223, %add3A_226 : i32
      %add3A_228 = arith.constant 256 : i32
      %add3A_229 = arith.addi %add3A_223, %add3A_228 : i32
      %add3A_230 = arith.constant 384 : i32
      %add3A_231 = arith.addi %add3A_223, %add3A_230 : i32
      %add3A_232 = arith.constant 512 : i32
      %add3A_233 = arith.addi %add3A_223, %add3A_232 : i32
      %dma_wait3A_234 = arith.constant 0 : i32
      %dma_wait3A_235 = tpu.memref_slice %arg8[%add3A_225, %dma_wait3A_234] : memref<819200x128xf32, #tpu.memory_space<hbm>> -> memref<128x128xf32, #tpu.memory_space<hbm>>
      %dma_wait3A_236 = arith.constant 0 : i32
      %dma_wait3A_237 = tpu.memref_slice %arg8[%add3A_225, %dma_wait3A_236] : memref<819200x128xf32, #tpu.memory_space<hbm>> -> memref<128x128xf32, #tpu.memory_space<hbm>>
      tpu.wait_dma2 semaphore(%arg44 : memref<!tpu.dma_semaphore, #tpu.memory_space<semaphore_mem>>) src(%arg24 : memref<128x128xf32, #tpu.memory_space<vmem>>) dst(%dma_wait3A_237 : memref<128x128xf32, #tpu.memory_space<hbm>>)
      %dma_wait3A_238 = arith.constant 0 : i32
      %dma_wait3A_239 = tpu.memref_slice %arg8[%add3A_227, %dma_wait3A_238] : memref<819200x128xf32, #tpu.memory_space<hbm>> -> memref<128x128xf32, #tpu.memory_space<hbm>>
      %dma_wait3A_240 = arith.constant 0 : i32
      %dma_wait3A_241 = tpu.memref_slice %arg8[%add3A_227, %dma_wait3A_240] : memref<819200x128xf32, #tpu.memory_space<hbm>> -> memref<128x128xf32, #tpu.memory_space<hbm>>
      tpu.wait_dma2 semaphore(%arg45 : memref<!tpu.dma_semaphore, #tpu.memory_space<semaphore_mem>>) src(%arg25 : memref<128x128xf32, #tpu.memory_space<vmem>>) dst(%dma_wait3A_241 : memref<128x128xf32, #tpu.memory_space<hbm>>)
      %dma_wait3A_242 = arith.constant 0 : i32
      %dma_wait3A_243 = tpu.memref_slice %arg8[%add3A_229, %dma_wait3A_242] : memref<819200x128xf32, #tpu.memory_space<hbm>> -> memref<128x128xf32, #tpu.memory_space<hbm>>
      %dma_wait3A_244 = arith.constant 0 : i32
      %dma_wait3A_245 = tpu.memref_slice %arg8[%add3A_229, %dma_wait3A_244] : memref<819200x128xf32, #tpu.memory_space<hbm>> -> memref<128x128xf32, #tpu.memory_space<hbm>>
      tpu.wait_dma2 semaphore(%arg46 : memref<!tpu.dma_semaphore, #tpu.memory_space<semaphore_mem>>) src(%arg26 : memref<128x128xf32, #tpu.memory_space<vmem>>) dst(%dma_wait3A_245 : memref<128x128xf32, #tpu.memory_space<hbm>>)
      %dma_wait3A_246 = arith.constant 0 : i32
      %dma_wait3A_247 = tpu.memref_slice %arg8[%add3A_231, %dma_wait3A_246] : memref<819200x128xf32, #tpu.memory_space<hbm>> -> memref<128x128xf32, #tpu.memory_space<hbm>>
      %dma_wait3A_248 = arith.constant 0 : i32
      %dma_wait3A_249 = tpu.memref_slice %arg8[%add3A_231, %dma_wait3A_248] : memref<819200x128xf32, #tpu.memory_space<hbm>> -> memref<128x128xf32, #tpu.memory_space<hbm>>
      tpu.wait_dma2 semaphore(%arg47 : memref<!tpu.dma_semaphore, #tpu.memory_space<semaphore_mem>>) src(%arg27 : memref<128x128xf32, #tpu.memory_space<vmem>>) dst(%dma_wait3A_249 : memref<128x128xf32, #tpu.memory_space<hbm>>)
      %dma_wait3A_250 = arith.constant 0 : i32
      %dma_wait3A_251 = tpu.memref_slice %arg8[%add3A_233, %dma_wait3A_250] : memref<819200x128xf32, #tpu.memory_space<hbm>> -> memref<128x128xf32, #tpu.memory_space<hbm>>
      %dma_wait3A_252 = arith.constant 0 : i32
      %dma_wait3A_253 = tpu.memref_slice %arg8[%add3A_233, %dma_wait3A_252] : memref<819200x128xf32, #tpu.memory_space<hbm>> -> memref<128x128xf32, #tpu.memory_space<hbm>>
      tpu.wait_dma2 semaphore(%arg48 : memref<!tpu.dma_semaphore, #tpu.memory_space<semaphore_mem>>) src(%arg28 : memref<128x128xf32, #tpu.memory_space<vmem>>) dst(%dma_wait3A_253 : memref<128x128xf32, #tpu.memory_space<hbm>>)
      %dma_start3A_254 = tpu.memref_slice %arg2[%add3A_225] : memref<819200xi32, #tpu.memory_space<hbm>> -> memref<128xi32, #tpu.memory_space<hbm>>
      %dma_start3A_255 = tpu.memref_slice %arg2[%add3A_225] : memref<819200xi32, #tpu.memory_space<hbm>> -> memref<128xi32, #tpu.memory_space<hbm>>
      tpu.enqueue_dma source(%dma_start3A_255 : memref<128xi32, #tpu.memory_space<hbm>>) target(%arg9 : memref<128xi32, #tpu.memory_space<vmem>>) target_semaphore(%arg29 : memref<!tpu.dma_semaphore, #tpu.memory_space<semaphore_mem>>)
      %dma_start3A_256 = tpu.memref_slice %arg3[%add3A_225] : memref<819200xi32, #tpu.memory_space<hbm>> -> memref<128xi32, #tpu.memory_space<hbm>>
      %dma_start3A_257 = tpu.memref_slice %arg3[%add3A_225] : memref<819200xi32, #tpu.memory_space<hbm>> -> memref<128xi32, #tpu.memory_space<hbm>>
      tpu.enqueue_dma source(%dma_start3A_257 : memref<128xi32, #tpu.memory_space<hbm>>) target(%arg14 : memref<128xi32, #tpu.memory_space<vmem>>) target_semaphore(%arg29 : memref<!tpu.dma_semaphore, #tpu.memory_space<semaphore_mem>>)
      %dma_start3A_258 = tpu.memref_slice %arg4[%add3A_225] : memref<819200xi32, #tpu.memory_space<hbm>> -> memref<128xi32, #tpu.memory_space<hbm>>
      %dma_start3A_259 = tpu.memref_slice %arg4[%add3A_225] : memref<819200xi32, #tpu.memory_space<hbm>> -> memref<128xi32, #tpu.memory_space<hbm>>
      tpu.enqueue_dma source(%dma_start3A_259 : memref<128xi32, #tpu.memory_space<hbm>>) target(%arg19 : memref<128xi32, #tpu.memory_space<vmem>>) target_semaphore(%arg29 : memref<!tpu.dma_semaphore, #tpu.memory_space<semaphore_mem>>)
      %dma_start3A_260 = tpu.memref_slice %arg2[%add3A_227] : memref<819200xi32, #tpu.memory_space<hbm>> -> memref<128xi32, #tpu.memory_space<hbm>>
      %dma_start3A_261 = tpu.memref_slice %arg2[%add3A_227] : memref<819200xi32, #tpu.memory_space<hbm>> -> memref<128xi32, #tpu.memory_space<hbm>>
      tpu.enqueue_dma source(%dma_start3A_261 : memref<128xi32, #tpu.memory_space<hbm>>) target(%arg10 : memref<128xi32, #tpu.memory_space<vmem>>) target_semaphore(%arg30 : memref<!tpu.dma_semaphore, #tpu.memory_space<semaphore_mem>>)
      %dma_start3A_262 = tpu.memref_slice %arg3[%add3A_227] : memref<819200xi32, #tpu.memory_space<hbm>> -> memref<128xi32, #tpu.memory_space<hbm>>
      %dma_start3A_263 = tpu.memref_slice %arg3[%add3A_227] : memref<819200xi32, #tpu.memory_space<hbm>> -> memref<128xi32, #tpu.memory_space<hbm>>
      tpu.enqueue_dma source(%dma_start3A_263 : memref<128xi32, #tpu.memory_space<hbm>>) target(%arg15 : memref<128xi32, #tpu.memory_space<vmem>>) target_semaphore(%arg30 : memref<!tpu.dma_semaphore, #tpu.memory_space<semaphore_mem>>)
      %dma_start3A_264 = tpu.memref_slice %arg4[%add3A_227] : memref<819200xi32, #tpu.memory_space<hbm>> -> memref<128xi32, #tpu.memory_space<hbm>>
      %dma_start3A_265 = tpu.memref_slice %arg4[%add3A_227] : memref<819200xi32, #tpu.memory_space<hbm>> -> memref<128xi32, #tpu.memory_space<hbm>>
      tpu.enqueue_dma source(%dma_start3A_265 : memref<128xi32, #tpu.memory_space<hbm>>) target(%arg20 : memref<128xi32, #tpu.memory_space<vmem>>) target_semaphore(%arg30 : memref<!tpu.dma_semaphore, #tpu.memory_space<semaphore_mem>>)
      %dma_start3A_266 = tpu.memref_slice %arg2[%add3A_229] : memref<819200xi32, #tpu.memory_space<hbm>> -> memref<128xi32, #tpu.memory_space<hbm>>
      %dma_start3A_267 = tpu.memref_slice %arg2[%add3A_229] : memref<819200xi32, #tpu.memory_space<hbm>> -> memref<128xi32, #tpu.memory_space<hbm>>
      tpu.enqueue_dma source(%dma_start3A_267 : memref<128xi32, #tpu.memory_space<hbm>>) target(%arg11 : memref<128xi32, #tpu.memory_space<vmem>>) target_semaphore(%arg31 : memref<!tpu.dma_semaphore, #tpu.memory_space<semaphore_mem>>)
      %dma_start3A_268 = tpu.memref_slice %arg3[%add3A_229] : memref<819200xi32, #tpu.memory_space<hbm>> -> memref<128xi32, #tpu.memory_space<hbm>>
      %dma_start3A_269 = tpu.memref_slice %arg3[%add3A_229] : memref<819200xi32, #tpu.memory_space<hbm>> -> memref<128xi32, #tpu.memory_space<hbm>>
      tpu.enqueue_dma source(%dma_start3A_269 : memref<128xi32, #tpu.memory_space<hbm>>) target(%arg16 : memref<128xi32, #tpu.memory_space<vmem>>) target_semaphore(%arg31 : memref<!tpu.dma_semaphore, #tpu.memory_space<semaphore_mem>>)
      %dma_start3A_270 = tpu.memref_slice %arg4[%add3A_229] : memref<819200xi32, #tpu.memory_space<hbm>> -> memref<128xi32, #tpu.memory_space<hbm>>
      %dma_start3A_271 = tpu.memref_slice %arg4[%add3A_229] : memref<819200xi32, #tpu.memory_space<hbm>> -> memref<128xi32, #tpu.memory_space<hbm>>
      tpu.enqueue_dma source(%dma_start3A_271 : memref<128xi32, #tpu.memory_space<hbm>>) target(%arg21 : memref<128xi32, #tpu.memory_space<vmem>>) target_semaphore(%arg31 : memref<!tpu.dma_semaphore, #tpu.memory_space<semaphore_mem>>)
      %dma_start3A_272 = tpu.memref_slice %arg2[%add3A_231] : memref<819200xi32, #tpu.memory_space<hbm>> -> memref<128xi32, #tpu.memory_space<hbm>>
      %dma_start3A_273 = tpu.memref_slice %arg2[%add3A_231] : memref<819200xi32, #tpu.memory_space<hbm>> -> memref<128xi32, #tpu.memory_space<hbm>>
      tpu.enqueue_dma source(%dma_start3A_273 : memref<128xi32, #tpu.memory_space<hbm>>) target(%arg12 : memref<128xi32, #tpu.memory_space<vmem>>) target_semaphore(%arg32 : memref<!tpu.dma_semaphore, #tpu.memory_space<semaphore_mem>>)
      %dma_start3A_274 = tpu.memref_slice %arg3[%add3A_231] : memref<819200xi32, #tpu.memory_space<hbm>> -> memref<128xi32, #tpu.memory_space<hbm>>
      %dma_start3A_275 = tpu.memref_slice %arg3[%add3A_231] : memref<819200xi32, #tpu.memory_space<hbm>> -> memref<128xi32, #tpu.memory_space<hbm>>
      tpu.enqueue_dma source(%dma_start3A_275 : memref<128xi32, #tpu.memory_space<hbm>>) target(%arg17 : memref<128xi32, #tpu.memory_space<vmem>>) target_semaphore(%arg32 : memref<!tpu.dma_semaphore, #tpu.memory_space<semaphore_mem>>)
      %dma_start3A_276 = tpu.memref_slice %arg4[%add3A_231] : memref<819200xi32, #tpu.memory_space<hbm>> -> memref<128xi32, #tpu.memory_space<hbm>>
      %dma_start3A_277 = tpu.memref_slice %arg4[%add3A_231] : memref<819200xi32, #tpu.memory_space<hbm>> -> memref<128xi32, #tpu.memory_space<hbm>>
      tpu.enqueue_dma source(%dma_start3A_277 : memref<128xi32, #tpu.memory_space<hbm>>) target(%arg22 : memref<128xi32, #tpu.memory_space<vmem>>) target_semaphore(%arg32 : memref<!tpu.dma_semaphore, #tpu.memory_space<semaphore_mem>>)
      %dma_start3A_278 = tpu.memref_slice %arg2[%add3A_233] : memref<819200xi32, #tpu.memory_space<hbm>> -> memref<128xi32, #tpu.memory_space<hbm>>
      %dma_start3A_279 = tpu.memref_slice %arg2[%add3A_233] : memref<819200xi32, #tpu.memory_space<hbm>> -> memref<128xi32, #tpu.memory_space<hbm>>
      tpu.enqueue_dma source(%dma_start3A_279 : memref<128xi32, #tpu.memory_space<hbm>>) target(%arg13 : memref<128xi32, #tpu.memory_space<vmem>>) target_semaphore(%arg33 : memref<!tpu.dma_semaphore, #tpu.memory_space<semaphore_mem>>)
      %dma_start3A_280 = tpu.memref_slice %arg3[%add3A_233] : memref<819200xi32, #tpu.memory_space<hbm>> -> memref<128xi32, #tpu.memory_space<hbm>>
      %dma_start3A_281 = tpu.memref_slice %arg3[%add3A_233] : memref<819200xi32, #tpu.memory_space<hbm>> -> memref<128xi32, #tpu.memory_space<hbm>>
      tpu.enqueue_dma source(%dma_start3A_281 : memref<128xi32, #tpu.memory_space<hbm>>) target(%arg18 : memref<128xi32, #tpu.memory_space<vmem>>) target_semaphore(%arg33 : memref<!tpu.dma_semaphore, #tpu.memory_space<semaphore_mem>>)
      %dma_start3A_282 = tpu.memref_slice %arg4[%add3A_233] : memref<819200xi32, #tpu.memory_space<hbm>> -> memref<128xi32, #tpu.memory_space<hbm>>
      %dma_start3A_283 = tpu.memref_slice %arg4[%add3A_233] : memref<819200xi32, #tpu.memory_space<hbm>> -> memref<128xi32, #tpu.memory_space<hbm>>
      tpu.enqueue_dma source(%dma_start3A_283 : memref<128xi32, #tpu.memory_space<hbm>>) target(%arg23 : memref<128xi32, #tpu.memory_space<vmem>>) target_semaphore(%arg33 : memref<!tpu.dma_semaphore, #tpu.memory_space<semaphore_mem>>)
      %dma_wait3A_284 = tpu.memref_slice %arg2[%add3A_225] : memref<819200xi32, #tpu.memory_space<hbm>> -> memref<128xi32, #tpu.memory_space<hbm>>
      %dma_wait3A_285 = tpu.memref_slice %arg2[%add3A_225] : memref<819200xi32, #tpu.memory_space<hbm>> -> memref<128xi32, #tpu.memory_space<hbm>>
      tpu.wait_dma2 semaphore(%arg29 : memref<!tpu.dma_semaphore, #tpu.memory_space<semaphore_mem>>) src(%dma_wait3A_285 : memref<128xi32, #tpu.memory_space<hbm>>) dst(%arg9 : memref<128xi32, #tpu.memory_space<vmem>>)
      %dma_wait3A_286 = tpu.memref_slice %arg3[%add3A_225] : memref<819200xi32, #tpu.memory_space<hbm>> -> memref<128xi32, #tpu.memory_space<hbm>>
      %dma_wait3A_287 = tpu.memref_slice %arg3[%add3A_225] : memref<819200xi32, #tpu.memory_space<hbm>> -> memref<128xi32, #tpu.memory_space<hbm>>
      tpu.wait_dma2 semaphore(%arg29 : memref<!tpu.dma_semaphore, #tpu.memory_space<semaphore_mem>>) src(%dma_wait3A_287 : memref<128xi32, #tpu.memory_space<hbm>>) dst(%arg14 : memref<128xi32, #tpu.memory_space<vmem>>)
      %dma_wait3A_288 = tpu.memref_slice %arg4[%add3A_225] : memref<819200xi32, #tpu.memory_space<hbm>> -> memref<128xi32, #tpu.memory_space<hbm>>
      %dma_wait3A_289 = tpu.memref_slice %arg4[%add3A_225] : memref<819200xi32, #tpu.memory_space<hbm>> -> memref<128xi32, #tpu.memory_space<hbm>>
      tpu.wait_dma2 semaphore(%arg29 : memref<!tpu.dma_semaphore, #tpu.memory_space<semaphore_mem>>) src(%dma_wait3A_289 : memref<128xi32, #tpu.memory_space<hbm>>) dst(%arg19 : memref<128xi32, #tpu.memory_space<vmem>>)
      %dma_start3A_290 = arith.constant 0 : i32
      %dma_start3A_291 = arith.constant 0 : i32
      %dma_start3A_292 = tpu.memref_slice %arg5[%dma_start3A_290, %dma_start3A_291] : memref<100000x128xf32, #tpu.memory_space<hbm>> -> memref<100000x128xf32, #tpu.memory_space<hbm>>
      tpu.enqueue_indirect_dma source(%dma_start3A_292 : memref<100000x128xf32, #tpu.memory_space<hbm>>) target(%arg24 : memref<128x128xf32, #tpu.memory_space<vmem>>) offsets(%arg9 : memref<128xi32, #tpu.memory_space<vmem>>) semaphore(%arg34 : memref<!tpu.dma_semaphore, #tpu.memory_space<semaphore_mem>>)
      %dma_wait3A_293 = tpu.memref_slice %arg2[%add3A_227] : memref<819200xi32, #tpu.memory_space<hbm>> -> memref<128xi32, #tpu.memory_space<hbm>>
      %dma_wait3A_294 = tpu.memref_slice %arg2[%add3A_227] : memref<819200xi32, #tpu.memory_space<hbm>> -> memref<128xi32, #tpu.memory_space<hbm>>
      tpu.wait_dma2 semaphore(%arg30 : memref<!tpu.dma_semaphore, #tpu.memory_space<semaphore_mem>>) src(%dma_wait3A_294 : memref<128xi32, #tpu.memory_space<hbm>>) dst(%arg10 : memref<128xi32, #tpu.memory_space<vmem>>)
      %dma_wait3A_295 = tpu.memref_slice %arg3[%add3A_227] : memref<819200xi32, #tpu.memory_space<hbm>> -> memref<128xi32, #tpu.memory_space<hbm>>
      %dma_wait3A_296 = tpu.memref_slice %arg3[%add3A_227] : memref<819200xi32, #tpu.memory_space<hbm>> -> memref<128xi32, #tpu.memory_space<hbm>>
      tpu.wait_dma2 semaphore(%arg30 : memref<!tpu.dma_semaphore, #tpu.memory_space<semaphore_mem>>) src(%dma_wait3A_296 : memref<128xi32, #tpu.memory_space<hbm>>) dst(%arg15 : memref<128xi32, #tpu.memory_space<vmem>>)
      %dma_wait3A_297 = tpu.memref_slice %arg4[%add3A_227] : memref<819200xi32, #tpu.memory_space<hbm>> -> memref<128xi32, #tpu.memory_space<hbm>>
      %dma_wait3A_298 = tpu.memref_slice %arg4[%add3A_227] : memref<819200xi32, #tpu.memory_space<hbm>> -> memref<128xi32, #tpu.memory_space<hbm>>
      tpu.wait_dma2 semaphore(%arg30 : memref<!tpu.dma_semaphore, #tpu.memory_space<semaphore_mem>>) src(%dma_wait3A_298 : memref<128xi32, #tpu.memory_space<hbm>>) dst(%arg20 : memref<128xi32, #tpu.memory_space<vmem>>)
      %dma_start3A_299 = arith.constant 0 : i32
      %dma_start3A_300 = arith.constant 0 : i32
      %dma_start3A_301 = tpu.memref_slice %arg5[%dma_start3A_299, %dma_start3A_300] : memref<100000x128xf32, #tpu.memory_space<hbm>> -> memref<100000x128xf32, #tpu.memory_space<hbm>>
      tpu.enqueue_indirect_dma source(%dma_start3A_301 : memref<100000x128xf32, #tpu.memory_space<hbm>>) target(%arg25 : memref<128x128xf32, #tpu.memory_space<vmem>>) offsets(%arg10 : memref<128xi32, #tpu.memory_space<vmem>>) semaphore(%arg35 : memref<!tpu.dma_semaphore, #tpu.memory_space<semaphore_mem>>)
      %dma_wait3A_302 = tpu.memref_slice %arg2[%add3A_229] : memref<819200xi32, #tpu.memory_space<hbm>> -> memref<128xi32, #tpu.memory_space<hbm>>
      %dma_wait3A_303 = tpu.memref_slice %arg2[%add3A_229] : memref<819200xi32, #tpu.memory_space<hbm>> -> memref<128xi32, #tpu.memory_space<hbm>>
      tpu.wait_dma2 semaphore(%arg31 : memref<!tpu.dma_semaphore, #tpu.memory_space<semaphore_mem>>) src(%dma_wait3A_303 : memref<128xi32, #tpu.memory_space<hbm>>) dst(%arg11 : memref<128xi32, #tpu.memory_space<vmem>>)
      %dma_wait3A_304 = tpu.memref_slice %arg3[%add3A_229] : memref<819200xi32, #tpu.memory_space<hbm>> -> memref<128xi32, #tpu.memory_space<hbm>>
      %dma_wait3A_305 = tpu.memref_slice %arg3[%add3A_229] : memref<819200xi32, #tpu.memory_space<hbm>> -> memref<128xi32, #tpu.memory_space<hbm>>
      tpu.wait_dma2 semaphore(%arg31 : memref<!tpu.dma_semaphore, #tpu.memory_space<semaphore_mem>>) src(%dma_wait3A_305 : memref<128xi32, #tpu.memory_space<hbm>>) dst(%arg16 : memref<128xi32, #tpu.memory_space<vmem>>)
      %dma_wait3A_306 = tpu.memref_slice %arg4[%add3A_229] : memref<819200xi32, #tpu.memory_space<hbm>> -> memref<128xi32, #tpu.memory_space<hbm>>
      %dma_wait3A_307 = tpu.memref_slice %arg4[%add3A_229] : memref<819200xi32, #tpu.memory_space<hbm>> -> memref<128xi32, #tpu.memory_space<hbm>>
      tpu.wait_dma2 semaphore(%arg31 : memref<!tpu.dma_semaphore, #tpu.memory_space<semaphore_mem>>) src(%dma_wait3A_307 : memref<128xi32, #tpu.memory_space<hbm>>) dst(%arg21 : memref<128xi32, #tpu.memory_space<vmem>>)
      %dma_start3A_308 = arith.constant 0 : i32
      %dma_start3A_309 = arith.constant 0 : i32
      %dma_start3A_310 = tpu.memref_slice %arg5[%dma_start3A_308, %dma_start3A_309] : memref<100000x128xf32, #tpu.memory_space<hbm>> -> memref<100000x128xf32, #tpu.memory_space<hbm>>
      tpu.enqueue_indirect_dma source(%dma_start3A_310 : memref<100000x128xf32, #tpu.memory_space<hbm>>) target(%arg26 : memref<128x128xf32, #tpu.memory_space<vmem>>) offsets(%arg11 : memref<128xi32, #tpu.memory_space<vmem>>) semaphore(%arg36 : memref<!tpu.dma_semaphore, #tpu.memory_space<semaphore_mem>>)
      %dma_wait3A_311 = tpu.memref_slice %arg2[%add3A_231] : memref<819200xi32, #tpu.memory_space<hbm>> -> memref<128xi32, #tpu.memory_space<hbm>>
      %dma_wait3A_312 = tpu.memref_slice %arg2[%add3A_231] : memref<819200xi32, #tpu.memory_space<hbm>> -> memref<128xi32, #tpu.memory_space<hbm>>
      tpu.wait_dma2 semaphore(%arg32 : memref<!tpu.dma_semaphore, #tpu.memory_space<semaphore_mem>>) src(%dma_wait3A_312 : memref<128xi32, #tpu.memory_space<hbm>>) dst(%arg12 : memref<128xi32, #tpu.memory_space<vmem>>)
      %dma_wait3A_313 = tpu.memref_slice %arg3[%add3A_231] : memref<819200xi32, #tpu.memory_space<hbm>> -> memref<128xi32, #tpu.memory_space<hbm>>
      %dma_wait3A_314 = tpu.memref_slice %arg3[%add3A_231] : memref<819200xi32, #tpu.memory_space<hbm>> -> memref<128xi32, #tpu.memory_space<hbm>>
      tpu.wait_dma2 semaphore(%arg32 : memref<!tpu.dma_semaphore, #tpu.memory_space<semaphore_mem>>) src(%dma_wait3A_314 : memref<128xi32, #tpu.memory_space<hbm>>) dst(%arg17 : memref<128xi32, #tpu.memory_space<vmem>>)
      %dma_wait3A_315 = tpu.memref_slice %arg4[%add3A_231] : memref<819200xi32, #tpu.memory_space<hbm>> -> memref<128xi32, #tpu.memory_space<hbm>>
      %dma_wait3A_316 = tpu.memref_slice %arg4[%add3A_231] : memref<819200xi32, #tpu.memory_space<hbm>> -> memref<128xi32, #tpu.memory_space<hbm>>
      tpu.wait_dma2 semaphore(%arg32 : memref<!tpu.dma_semaphore, #tpu.memory_space<semaphore_mem>>) src(%dma_wait3A_316 : memref<128xi32, #tpu.memory_space<hbm>>) dst(%arg22 : memref<128xi32, #tpu.memory_space<vmem>>)
      %dma_start3A_317 = arith.constant 0 : i32
      %dma_start3A_318 = arith.constant 0 : i32
      %dma_start3A_319 = tpu.memref_slice %arg5[%dma_start3A_317, %dma_start3A_318] : memref<100000x128xf32, #tpu.memory_space<hbm>> -> memref<100000x128xf32, #tpu.memory_space<hbm>>
      tpu.enqueue_indirect_dma source(%dma_start3A_319 : memref<100000x128xf32, #tpu.memory_space<hbm>>) target(%arg27 : memref<128x128xf32, #tpu.memory_space<vmem>>) offsets(%arg12 : memref<128xi32, #tpu.memory_space<vmem>>) semaphore(%arg37 : memref<!tpu.dma_semaphore, #tpu.memory_space<semaphore_mem>>)
      %dma_wait3A_320 = tpu.memref_slice %arg2[%add3A_233] : memref<819200xi32, #tpu.memory_space<hbm>> -> memref<128xi32, #tpu.memory_space<hbm>>
      %dma_wait3A_321 = tpu.memref_slice %arg2[%add3A_233] : memref<819200xi32, #tpu.memory_space<hbm>> -> memref<128xi32, #tpu.memory_space<hbm>>
      tpu.wait_dma2 semaphore(%arg33 : memref<!tpu.dma_semaphore, #tpu.memory_space<semaphore_mem>>) src(%dma_wait3A_321 : memref<128xi32, #tpu.memory_space<hbm>>) dst(%arg13 : memref<128xi32, #tpu.memory_space<vmem>>)
      %dma_wait3A_322 = tpu.memref_slice %arg3[%add3A_233] : memref<819200xi32, #tpu.memory_space<hbm>> -> memref<128xi32, #tpu.memory_space<hbm>>
      %dma_wait3A_323 = tpu.memref_slice %arg3[%add3A_233] : memref<819200xi32, #tpu.memory_space<hbm>> -> memref<128xi32, #tpu.memory_space<hbm>>
      tpu.wait_dma2 semaphore(%arg33 : memref<!tpu.dma_semaphore, #tpu.memory_space<semaphore_mem>>) src(%dma_wait3A_323 : memref<128xi32, #tpu.memory_space<hbm>>) dst(%arg18 : memref<128xi32, #tpu.memory_space<vmem>>)
      %dma_wait3A_324 = tpu.memref_slice %arg4[%add3A_233] : memref<819200xi32, #tpu.memory_space<hbm>> -> memref<128xi32, #tpu.memory_space<hbm>>
      %dma_wait3A_325 = tpu.memref_slice %arg4[%add3A_233] : memref<819200xi32, #tpu.memory_space<hbm>> -> memref<128xi32, #tpu.memory_space<hbm>>
      tpu.wait_dma2 semaphore(%arg33 : memref<!tpu.dma_semaphore, #tpu.memory_space<semaphore_mem>>) src(%dma_wait3A_325 : memref<128xi32, #tpu.memory_space<hbm>>) dst(%arg23 : memref<128xi32, #tpu.memory_space<vmem>>)
      %dma_start3A_326 = arith.constant 0 : i32
      %dma_start3A_327 = arith.constant 0 : i32
      %dma_start3A_328 = tpu.memref_slice %arg5[%dma_start3A_326, %dma_start3A_327] : memref<100000x128xf32, #tpu.memory_space<hbm>> -> memref<100000x128xf32, #tpu.memory_space<hbm>>
      tpu.enqueue_indirect_dma source(%dma_start3A_328 : memref<100000x128xf32, #tpu.memory_space<hbm>>) target(%arg28 : memref<128x128xf32, #tpu.memory_space<vmem>>) offsets(%arg13 : memref<128xi32, #tpu.memory_space<vmem>>) semaphore(%arg38 : memref<!tpu.dma_semaphore, #tpu.memory_space<semaphore_mem>>)
      %dma_wait3A_329 = arith.constant 0 : i32
      %dma_wait3A_330 = arith.constant 0 : i32
      %dma_wait3A_331 = tpu.memref_slice %arg5[%dma_wait3A_329, %dma_wait3A_330] : memref<100000x128xf32, #tpu.memory_space<hbm>> -> memref<100000x128xf32, #tpu.memory_space<hbm>>
      tpu.wait_indirect_dma semaphore(%arg34 : memref<!tpu.dma_semaphore, #tpu.memory_space<semaphore_mem>>) src(%dma_wait3A_331 : memref<100000x128xf32, #tpu.memory_space<hbm>>) dst(%arg24 : memref<128x128xf32, #tpu.memory_space<vmem>>)
      %dma_start3A_332 = arith.constant 0 : i32
      %dma_start3A_333 = arith.constant 0 : i32
      %dma_start3A_334 = tpu.memref_slice %arg6[%dma_start3A_332, %dma_start3A_333] : memref<1000x128xf32, #tpu.memory_space<hbm>> -> memref<1000x128xf32, #tpu.memory_space<hbm>>
      tpu.enqueue_indirect_dma source(%dma_start3A_334 : memref<1000x128xf32, #tpu.memory_space<hbm>>) target(%arg24 : memref<128x128xf32, #tpu.memory_space<vmem>>) offsets(%arg14 : memref<128xi32, #tpu.memory_space<vmem>>) semaphore(%arg39 : memref<!tpu.dma_semaphore, #tpu.memory_space<semaphore_mem>>) {add = true}
      %dma_start3A_335 = arith.constant 0 : i32
      %dma_start3A_336 = arith.constant 0 : i32
      %dma_start3A_337 = tpu.memref_slice %arg7[%dma_start3A_335, %dma_start3A_336] : memref<100000x128xf32, #tpu.memory_space<hbm>> -> memref<100000x128xf32, #tpu.memory_space<hbm>>
      tpu.enqueue_indirect_dma source(%dma_start3A_337 : memref<100000x128xf32, #tpu.memory_space<hbm>>) target(%arg24 : memref<128x128xf32, #tpu.memory_space<vmem>>) offsets(%arg19 : memref<128xi32, #tpu.memory_space<vmem>>) semaphore(%arg39 : memref<!tpu.dma_semaphore, #tpu.memory_space<semaphore_mem>>) {add = true}
      %dma_wait3A_338 = arith.constant 0 : i32
      %dma_wait3A_339 = arith.constant 0 : i32
      %dma_wait3A_340 = tpu.memref_slice %arg5[%dma_wait3A_338, %dma_wait3A_339] : memref<100000x128xf32, #tpu.memory_space<hbm>> -> memref<100000x128xf32, #tpu.memory_space<hbm>>
      tpu.wait_indirect_dma semaphore(%arg35 : memref<!tpu.dma_semaphore, #tpu.memory_space<semaphore_mem>>) src(%dma_wait3A_340 : memref<100000x128xf32, #tpu.memory_space<hbm>>) dst(%arg25 : memref<128x128xf32, #tpu.memory_space<vmem>>)
      %dma_start3A_341 = arith.constant 0 : i32
      %dma_start3A_342 = arith.constant 0 : i32
      %dma_start3A_343 = tpu.memref_slice %arg6[%dma_start3A_341, %dma_start3A_342] : memref<1000x128xf32, #tpu.memory_space<hbm>> -> memref<1000x128xf32, #tpu.memory_space<hbm>>
      tpu.enqueue_indirect_dma source(%dma_start3A_343 : memref<1000x128xf32, #tpu.memory_space<hbm>>) target(%arg25 : memref<128x128xf32, #tpu.memory_space<vmem>>) offsets(%arg15 : memref<128xi32, #tpu.memory_space<vmem>>) semaphore(%arg40 : memref<!tpu.dma_semaphore, #tpu.memory_space<semaphore_mem>>) {add = true}
      %dma_start3A_344 = arith.constant 0 : i32
      %dma_start3A_345 = arith.constant 0 : i32
      %dma_start3A_346 = tpu.memref_slice %arg7[%dma_start3A_344, %dma_start3A_345] : memref<100000x128xf32, #tpu.memory_space<hbm>> -> memref<100000x128xf32, #tpu.memory_space<hbm>>
      tpu.enqueue_indirect_dma source(%dma_start3A_346 : memref<100000x128xf32, #tpu.memory_space<hbm>>) target(%arg25 : memref<128x128xf32, #tpu.memory_space<vmem>>) offsets(%arg20 : memref<128xi32, #tpu.memory_space<vmem>>) semaphore(%arg40 : memref<!tpu.dma_semaphore, #tpu.memory_space<semaphore_mem>>) {add = true}
      %dma_wait3A_347 = arith.constant 0 : i32
      %dma_wait3A_348 = arith.constant 0 : i32
      %dma_wait3A_349 = tpu.memref_slice %arg5[%dma_wait3A_347, %dma_wait3A_348] : memref<100000x128xf32, #tpu.memory_space<hbm>> -> memref<100000x128xf32, #tpu.memory_space<hbm>>
      tpu.wait_indirect_dma semaphore(%arg36 : memref<!tpu.dma_semaphore, #tpu.memory_space<semaphore_mem>>) src(%dma_wait3A_349 : memref<100000x128xf32, #tpu.memory_space<hbm>>) dst(%arg26 : memref<128x128xf32, #tpu.memory_space<vmem>>)
      %dma_start3A_350 = arith.constant 0 : i32
      %dma_start3A_351 = arith.constant 0 : i32
      %dma_start3A_352 = tpu.memref_slice %arg6[%dma_start3A_350, %dma_start3A_351] : memref<1000x128xf32, #tpu.memory_space<hbm>> -> memref<1000x128xf32, #tpu.memory_space<hbm>>
      tpu.enqueue_indirect_dma source(%dma_start3A_352 : memref<1000x128xf32, #tpu.memory_space<hbm>>) target(%arg26 : memref<128x128xf32, #tpu.memory_space<vmem>>) offsets(%arg16 : memref<128xi32, #tpu.memory_space<vmem>>) semaphore(%arg41 : memref<!tpu.dma_semaphore, #tpu.memory_space<semaphore_mem>>) {add = true}
      %dma_start3A_353 = arith.constant 0 : i32
      %dma_start3A_354 = arith.constant 0 : i32
      %dma_start3A_355 = tpu.memref_slice %arg7[%dma_start3A_353, %dma_start3A_354] : memref<100000x128xf32, #tpu.memory_space<hbm>> -> memref<100000x128xf32, #tpu.memory_space<hbm>>
      tpu.enqueue_indirect_dma source(%dma_start3A_355 : memref<100000x128xf32, #tpu.memory_space<hbm>>) target(%arg26 : memref<128x128xf32, #tpu.memory_space<vmem>>) offsets(%arg21 : memref<128xi32, #tpu.memory_space<vmem>>) semaphore(%arg41 : memref<!tpu.dma_semaphore, #tpu.memory_space<semaphore_mem>>) {add = true}
      %dma_wait3A_356 = arith.constant 0 : i32
      %dma_wait3A_357 = arith.constant 0 : i32
      %dma_wait3A_358 = tpu.memref_slice %arg5[%dma_wait3A_356, %dma_wait3A_357] : memref<100000x128xf32, #tpu.memory_space<hbm>> -> memref<100000x128xf32, #tpu.memory_space<hbm>>
      tpu.wait_indirect_dma semaphore(%arg37 : memref<!tpu.dma_semaphore, #tpu.memory_space<semaphore_mem>>) src(%dma_wait3A_358 : memref<100000x128xf32, #tpu.memory_space<hbm>>) dst(%arg27 : memref<128x128xf32, #tpu.memory_space<vmem>>)
      %dma_start3A_359 = arith.constant 0 : i32
      %dma_start3A_360 = arith.constant 0 : i32
      %dma_start3A_361 = tpu.memref_slice %arg6[%dma_start3A_359, %dma_start3A_360] : memref<1000x128xf32, #tpu.memory_space<hbm>> -> memref<1000x128xf32, #tpu.memory_space<hbm>>
      tpu.enqueue_indirect_dma source(%dma_start3A_361 : memref<1000x128xf32, #tpu.memory_space<hbm>>) target(%arg27 : memref<128x128xf32, #tpu.memory_space<vmem>>) offsets(%arg17 : memref<128xi32, #tpu.memory_space<vmem>>) semaphore(%arg42 : memref<!tpu.dma_semaphore, #tpu.memory_space<semaphore_mem>>) {add = true}
      %dma_start3A_362 = arith.constant 0 : i32
      %dma_start3A_363 = arith.constant 0 : i32
      %dma_start3A_364 = tpu.memref_slice %arg7[%dma_start3A_362, %dma_start3A_363] : memref<100000x128xf32, #tpu.memory_space<hbm>> -> memref<100000x128xf32, #tpu.memory_space<hbm>>
      tpu.enqueue_indirect_dma source(%dma_start3A_364 : memref<100000x128xf32, #tpu.memory_space<hbm>>) target(%arg27 : memref<128x128xf32, #tpu.memory_space<vmem>>) offsets(%arg22 : memref<128xi32, #tpu.memory_space<vmem>>) semaphore(%arg42 : memref<!tpu.dma_semaphore, #tpu.memory_space<semaphore_mem>>) {add = true}
      %dma_wait3A_365 = arith.constant 0 : i32
      %dma_wait3A_366 = arith.constant 0 : i32
      %dma_wait3A_367 = tpu.memref_slice %arg5[%dma_wait3A_365, %dma_wait3A_366] : memref<100000x128xf32, #tpu.memory_space<hbm>> -> memref<100000x128xf32, #tpu.memory_space<hbm>>
      tpu.wait_indirect_dma semaphore(%arg38 : memref<!tpu.dma_semaphore, #tpu.memory_space<semaphore_mem>>) src(%dma_wait3A_367 : memref<100000x128xf32, #tpu.memory_space<hbm>>) dst(%arg28 : memref<128x128xf32, #tpu.memory_space<vmem>>)
      %dma_start3A_368 = arith.constant 0 : i32
      %dma_start3A_369 = arith.constant 0 : i32
      %dma_start3A_370 = tpu.memref_slice %arg6[%dma_start3A_368, %dma_start3A_369] : memref<1000x128xf32, #tpu.memory_space<hbm>> -> memref<1000x128xf32, #tpu.memory_space<hbm>>
      tpu.enqueue_indirect_dma source(%dma_start3A_370 : memref<1000x128xf32, #tpu.memory_space<hbm>>) target(%arg28 : memref<128x128xf32, #tpu.memory_space<vmem>>) offsets(%arg18 : memref<128xi32, #tpu.memory_space<vmem>>) semaphore(%arg43 : memref<!tpu.dma_semaphore, #tpu.memory_space<semaphore_mem>>) {add = true}
      %dma_start3A_371 = arith.constant 0 : i32
      %dma_start3A_372 = arith.constant 0 : i32
      %dma_start3A_373 = tpu.memref_slice %arg7[%dma_start3A_371, %dma_start3A_372] : memref<100000x128xf32, #tpu.memory_space<hbm>> -> memref<100000x128xf32, #tpu.memory_space<hbm>>
      tpu.enqueue_indirect_dma source(%dma_start3A_373 : memref<100000x128xf32, #tpu.memory_space<hbm>>) target(%arg28 : memref<128x128xf32, #tpu.memory_space<vmem>>) offsets(%arg23 : memref<128xi32, #tpu.memory_space<vmem>>) semaphore(%arg43 : memref<!tpu.dma_semaphore, #tpu.memory_space<semaphore_mem>>) {add = true}
      %dma_wait3A_374 = arith.constant 0 : i32
      %dma_wait3A_375 = arith.constant 0 : i32
      %dma_wait3A_376 = tpu.memref_slice %arg6[%dma_wait3A_374, %dma_wait3A_375] : memref<1000x128xf32, #tpu.memory_space<hbm>> -> memref<1000x128xf32, #tpu.memory_space<hbm>>
      tpu.wait_indirect_dma semaphore(%arg39 : memref<!tpu.dma_semaphore, #tpu.memory_space<semaphore_mem>>) src(%dma_wait3A_376 : memref<1000x128xf32, #tpu.memory_space<hbm>>) dst(%arg24 : memref<128x128xf32, #tpu.memory_space<vmem>>)
      %dma_wait3A_377 = arith.constant 0 : i32
      %dma_wait3A_378 = arith.constant 0 : i32
      %dma_wait3A_379 = tpu.memref_slice %arg7[%dma_wait3A_377, %dma_wait3A_378] : memref<100000x128xf32, #tpu.memory_space<hbm>> -> memref<100000x128xf32, #tpu.memory_space<hbm>>
      tpu.wait_indirect_dma semaphore(%arg39 : memref<!tpu.dma_semaphore, #tpu.memory_space<semaphore_mem>>) src(%dma_wait3A_379 : memref<100000x128xf32, #tpu.memory_space<hbm>>) dst(%arg24 : memref<128x128xf32, #tpu.memory_space<vmem>>)
      %dma_start3A_380 = arith.constant 0 : i32
      %dma_start3A_381 = tpu.memref_slice %arg8[%add3A_225, %dma_start3A_380] : memref<819200x128xf32, #tpu.memory_space<hbm>> -> memref<128x128xf32, #tpu.memory_space<hbm>>
      %dma_start3A_382 = arith.constant 0 : i32
      %dma_start3A_383 = tpu.memref_slice %arg8[%add3A_225, %dma_start3A_382] : memref<819200x128xf32, #tpu.memory_space<hbm>> -> memref<128x128xf32, #tpu.memory_space<hbm>>
      tpu.enqueue_dma source(%arg24 : memref<128x128xf32, #tpu.memory_space<vmem>>) target(%dma_start3A_383 : memref<128x128xf32, #tpu.memory_space<hbm>>) target_semaphore(%arg44 : memref<!tpu.dma_semaphore, #tpu.memory_space<semaphore_mem>>)
      %dma_wait3A_384 = arith.constant 0 : i32
      %dma_wait3A_385 = arith.constant 0 : i32
      %dma_wait3A_386 = tpu.memref_slice %arg6[%dma_wait3A_384, %dma_wait3A_385] : memref<1000x128xf32, #tpu.memory_space<hbm>> -> memref<1000x128xf32, #tpu.memory_space<hbm>>
      tpu.wait_indirect_dma semaphore(%arg40 : memref<!tpu.dma_semaphore, #tpu.memory_space<semaphore_mem>>) src(%dma_wait3A_386 : memref<1000x128xf32, #tpu.memory_space<hbm>>) dst(%arg25 : memref<128x128xf32, #tpu.memory_space<vmem>>)
      %dma_wait3A_387 = arith.constant 0 : i32
      %dma_wait3A_388 = arith.constant 0 : i32
      %dma_wait3A_389 = tpu.memref_slice %arg7[%dma_wait3A_387, %dma_wait3A_388] : memref<100000x128xf32, #tpu.memory_space<hbm>> -> memref<100000x128xf32, #tpu.memory_space<hbm>>
      tpu.wait_indirect_dma semaphore(%arg40 : memref<!tpu.dma_semaphore, #tpu.memory_space<semaphore_mem>>) src(%dma_wait3A_389 : memref<100000x128xf32, #tpu.memory_space<hbm>>) dst(%arg25 : memref<128x128xf32, #tpu.memory_space<vmem>>)
      %dma_start3A_390 = arith.constant 0 : i32
      %dma_start3A_391 = tpu.memref_slice %arg8[%add3A_227, %dma_start3A_390] : memref<819200x128xf32, #tpu.memory_space<hbm>> -> memref<128x128xf32, #tpu.memory_space<hbm>>
      %dma_start3A_392 = arith.constant 0 : i32
      %dma_start3A_393 = tpu.memref_slice %arg8[%add3A_227, %dma_start3A_392] : memref<819200x128xf32, #tpu.memory_space<hbm>> -> memref<128x128xf32, #tpu.memory_space<hbm>>
      tpu.enqueue_dma source(%arg25 : memref<128x128xf32, #tpu.memory_space<vmem>>) target(%dma_start3A_393 : memref<128x128xf32, #tpu.memory_space<hbm>>) target_semaphore(%arg45 : memref<!tpu.dma_semaphore, #tpu.memory_space<semaphore_mem>>)
      %dma_wait3A_394 = arith.constant 0 : i32
      %dma_wait3A_395 = arith.constant 0 : i32
      %dma_wait3A_396 = tpu.memref_slice %arg6[%dma_wait3A_394, %dma_wait3A_395] : memref<1000x128xf32, #tpu.memory_space<hbm>> -> memref<1000x128xf32, #tpu.memory_space<hbm>>
      tpu.wait_indirect_dma semaphore(%arg41 : memref<!tpu.dma_semaphore, #tpu.memory_space<semaphore_mem>>) src(%dma_wait3A_396 : memref<1000x128xf32, #tpu.memory_space<hbm>>) dst(%arg26 : memref<128x128xf32, #tpu.memory_space<vmem>>)
      %dma_wait3A_397 = arith.constant 0 : i32
      %dma_wait3A_398 = arith.constant 0 : i32
      %dma_wait3A_399 = tpu.memref_slice %arg7[%dma_wait3A_397, %dma_wait3A_398] : memref<100000x128xf32, #tpu.memory_space<hbm>> -> memref<100000x128xf32, #tpu.memory_space<hbm>>
      tpu.wait_indirect_dma semaphore(%arg41 : memref<!tpu.dma_semaphore, #tpu.memory_space<semaphore_mem>>) src(%dma_wait3A_399 : memref<100000x128xf32, #tpu.memory_space<hbm>>) dst(%arg26 : memref<128x128xf32, #tpu.memory_space<vmem>>)
      %dma_start3A_400 = arith.constant 0 : i32
      %dma_start3A_401 = tpu.memref_slice %arg8[%add3A_229, %dma_start3A_400] : memref<819200x128xf32, #tpu.memory_space<hbm>> -> memref<128x128xf32, #tpu.memory_space<hbm>>
      %dma_start3A_402 = arith.constant 0 : i32
      %dma_start3A_403 = tpu.memref_slice %arg8[%add3A_229, %dma_start3A_402] : memref<819200x128xf32, #tpu.memory_space<hbm>> -> memref<128x128xf32, #tpu.memory_space<hbm>>
      tpu.enqueue_dma source(%arg26 : memref<128x128xf32, #tpu.memory_space<vmem>>) target(%dma_start3A_403 : memref<128x128xf32, #tpu.memory_space<hbm>>) target_semaphore(%arg46 : memref<!tpu.dma_semaphore, #tpu.memory_space<semaphore_mem>>)
      %dma_wait3A_404 = arith.constant 0 : i32
      %dma_wait3A_405 = arith.constant 0 : i32
      %dma_wait3A_406 = tpu.memref_slice %arg6[%dma_wait3A_404, %dma_wait3A_405] : memref<1000x128xf32, #tpu.memory_space<hbm>> -> memref<1000x128xf32, #tpu.memory_space<hbm>>
      tpu.wait_indirect_dma semaphore(%arg42 : memref<!tpu.dma_semaphore, #tpu.memory_space<semaphore_mem>>) src(%dma_wait3A_406 : memref<1000x128xf32, #tpu.memory_space<hbm>>) dst(%arg27 : memref<128x128xf32, #tpu.memory_space<vmem>>)
      %dma_wait3A_407 = arith.constant 0 : i32
      %dma_wait3A_408 = arith.constant 0 : i32
      %dma_wait3A_409 = tpu.memref_slice %arg7[%dma_wait3A_407, %dma_wait3A_408] : memref<100000x128xf32, #tpu.memory_space<hbm>> -> memref<100000x128xf32, #tpu.memory_space<hbm>>
      tpu.wait_indirect_dma semaphore(%arg42 : memref<!tpu.dma_semaphore, #tpu.memory_space<semaphore_mem>>) src(%dma_wait3A_409 : memref<100000x128xf32, #tpu.memory_space<hbm>>) dst(%arg27 : memref<128x128xf32, #tpu.memory_space<vmem>>)
      %dma_start3A_410 = arith.constant 0 : i32
      %dma_start3A_411 = tpu.memref_slice %arg8[%add3A_231, %dma_start3A_410] : memref<819200x128xf32, #tpu.memory_space<hbm>> -> memref<128x128xf32, #tpu.memory_space<hbm>>
      %dma_start3A_412 = arith.constant 0 : i32
      %dma_start3A_413 = tpu.memref_slice %arg8[%add3A_231, %dma_start3A_412] : memref<819200x128xf32, #tpu.memory_space<hbm>> -> memref<128x128xf32, #tpu.memory_space<hbm>>
      tpu.enqueue_dma source(%arg27 : memref<128x128xf32, #tpu.memory_space<vmem>>) target(%dma_start3A_413 : memref<128x128xf32, #tpu.memory_space<hbm>>) target_semaphore(%arg47 : memref<!tpu.dma_semaphore, #tpu.memory_space<semaphore_mem>>)
      %dma_wait3A_414 = arith.constant 0 : i32
      %dma_wait3A_415 = arith.constant 0 : i32
      %dma_wait3A_416 = tpu.memref_slice %arg6[%dma_wait3A_414, %dma_wait3A_415] : memref<1000x128xf32, #tpu.memory_space<hbm>> -> memref<1000x128xf32, #tpu.memory_space<hbm>>
      tpu.wait_indirect_dma semaphore(%arg43 : memref<!tpu.dma_semaphore, #tpu.memory_space<semaphore_mem>>) src(%dma_wait3A_416 : memref<1000x128xf32, #tpu.memory_space<hbm>>) dst(%arg28 : memref<128x128xf32, #tpu.memory_space<vmem>>)
      %dma_wait3A_417 = arith.constant 0 : i32
      %dma_wait3A_418 = arith.constant 0 : i32
      %dma_wait3A_419 = tpu.memref_slice %arg7[%dma_wait3A_417, %dma_wait3A_418] : memref<100000x128xf32, #tpu.memory_space<hbm>> -> memref<100000x128xf32, #tpu.memory_space<hbm>>
      tpu.wait_indirect_dma semaphore(%arg43 : memref<!tpu.dma_semaphore, #tpu.memory_space<semaphore_mem>>) src(%dma_wait3A_419 : memref<100000x128xf32, #tpu.memory_space<hbm>>) dst(%arg28 : memref<128x128xf32, #tpu.memory_space<vmem>>)
      %dma_start3A_420 = arith.constant 0 : i32
      %dma_start3A_421 = tpu.memref_slice %arg8[%add3A_233, %dma_start3A_420] : memref<819200x128xf32, #tpu.memory_space<hbm>> -> memref<128x128xf32, #tpu.memory_space<hbm>>
      %dma_start3A_422 = arith.constant 0 : i32
      %dma_start3A_423 = tpu.memref_slice %arg8[%add3A_233, %dma_start3A_422] : memref<819200x128xf32, #tpu.memory_space<hbm>> -> memref<128x128xf32, #tpu.memory_space<hbm>>
      tpu.enqueue_dma source(%arg28 : memref<128x128xf32, #tpu.memory_space<vmem>>) target(%dma_start3A_423 : memref<128x128xf32, #tpu.memory_space<hbm>>) target_semaphore(%arg48 : memref<!tpu.dma_semaphore, #tpu.memory_space<semaphore_mem>>)
    }
    %scan3A_185 = arith.constant 39 : i32
    %add3A_186 = arith.constant 24960 : i32
    %add3A_187 = arith.addi %mul3A_2, %add3A_186 : i32
    %add3A_188 = arith.constant 0 : i32
    %add3A_189 = arith.addi %add3A_187, %add3A_188 : i32
    %dma_wait3A_190 = arith.constant 0 : i32
    %dma_wait3A_191 = tpu.memref_slice %arg8[%add3A_189, %dma_wait3A_190] : memref<819200x128xf32, #tpu.memory_space<hbm>> -> memref<128x128xf32, #tpu.memory_space<hbm>>
    %dma_wait3A_192 = arith.constant 0 : i32
    %dma_wait3A_193 = tpu.memref_slice %arg8[%add3A_189, %dma_wait3A_192] : memref<819200x128xf32, #tpu.memory_space<hbm>> -> memref<128x128xf32, #tpu.memory_space<hbm>>
    tpu.wait_dma2 semaphore(%arg44 : memref<!tpu.dma_semaphore, #tpu.memory_space<semaphore_mem>>) src(%arg24 : memref<128x128xf32, #tpu.memory_space<vmem>>) dst(%dma_wait3A_193 : memref<128x128xf32, #tpu.memory_space<hbm>>)
    %add3A_194 = arith.constant 128 : i32
    %add3A_195 = arith.addi %add3A_187, %add3A_194 : i32
    %dma_wait3A_196 = arith.constant 0 : i32
    %dma_wait3A_197 = tpu.memref_slice %arg8[%add3A_195, %dma_wait3A_196] : memref<819200x128xf32, #tpu.memory_space<hbm>> -> memref<128x128xf32, #tpu.memory_space<hbm>>
    %dma_wait3A_198 = arith.constant 0 : i32
    %dma_wait3A_199 = tpu.memref_slice %arg8[%add3A_195, %dma_wait3A_198] : memref<819200x128xf32, #tpu.memory_space<hbm>> -> memref<128x128xf32, #tpu.memory_space<hbm>>
    tpu.wait_dma2 semaphore(%arg45 : memref<!tpu.dma_semaphore, #tpu.memory_space<semaphore_mem>>) src(%arg25 : memref<128x128xf32, #tpu.memory_space<vmem>>) dst(%dma_wait3A_199 : memref<128x128xf32, #tpu.memory_space<hbm>>)
    %add3A_200 = arith.constant 256 : i32
    %add3A_201 = arith.addi %add3A_187, %add3A_200 : i32
    %dma_wait3A_202 = arith.constant 0 : i32
    %dma_wait3A_203 = tpu.memref_slice %arg8[%add3A_201, %dma_wait3A_202] : memref<819200x128xf32, #tpu.memory_space<hbm>> -> memref<128x128xf32, #tpu.memory_space<hbm>>
    %dma_wait3A_204 = arith.constant 0 : i32
    %dma_wait3A_205 = tpu.memref_slice %arg8[%add3A_201, %dma_wait3A_204] : memref<819200x128xf32, #tpu.memory_space<hbm>> -> memref<128x128xf32, #tpu.memory_space<hbm>>
    tpu.wait_dma2 semaphore(%arg46 : memref<!tpu.dma_semaphore, #tpu.memory_space<semaphore_mem>>) src(%arg26 : memref<128x128xf32, #tpu.memory_space<vmem>>) dst(%dma_wait3A_205 : memref<128x128xf32, #tpu.memory_space<hbm>>)
    %add3A_206 = arith.constant 384 : i32
    %add3A_207 = arith.addi %add3A_187, %add3A_206 : i32
    %dma_wait3A_208 = arith.constant 0 : i32
    %dma_wait3A_209 = tpu.memref_slice %arg8[%add3A_207, %dma_wait3A_208] : memref<819200x128xf32, #tpu.memory_space<hbm>> -> memref<128x128xf32, #tpu.memory_space<hbm>>
    %dma_wait3A_210 = arith.constant 0 : i32
    %dma_wait3A_211 = tpu.memref_slice %arg8[%add3A_207, %dma_wait3A_210] : memref<819200x128xf32, #tpu.memory_space<hbm>> -> memref<128x128xf32, #tpu.memory_space<hbm>>
    tpu.wait_dma2 semaphore(%arg47 : memref<!tpu.dma_semaphore, #tpu.memory_space<semaphore_mem>>) src(%arg27 : memref<128x128xf32, #tpu.memory_space<vmem>>) dst(%dma_wait3A_211 : memref<128x128xf32, #tpu.memory_space<hbm>>)
    %add3A_212 = arith.constant 512 : i32
    %add3A_213 = arith.addi %add3A_187, %add3A_212 : i32
    %dma_wait3A_214 = arith.constant 0 : i32
    %dma_wait3A_215 = tpu.memref_slice %arg8[%add3A_213, %dma_wait3A_214] : memref<819200x128xf32, #tpu.memory_space<hbm>> -> memref<128x128xf32, #tpu.memory_space<hbm>>
    %dma_wait3A_216 = arith.constant 0 : i32
    %dma_wait3A_217 = tpu.memref_slice %arg8[%add3A_213, %dma_wait3A_216] : memref<819200x128xf32, #tpu.memory_space<hbm>> -> memref<128x128xf32, #tpu.memory_space<hbm>>
    tpu.wait_dma2 semaphore(%arg48 : memref<!tpu.dma_semaphore, #tpu.memory_space<semaphore_mem>>) src(%arg28 : memref<128x128xf32, #tpu.memory_space<vmem>>) dst(%dma_wait3A_217 : memref<128x128xf32, #tpu.memory_space<hbm>>)
    return
  }
}

</mosaic_0001>

<sc_bundles>
// kernel: kernel.3.cloned.1.call-start
scs
__scs_entry_jumppad:
0x0: {  	(pc) =	sbr.rel $0x88, $3  }
0x1: {  	(tag) =	ssettag $0x0;
	lr =	simm.s32 $0x1  }
0x2: {  	[smem:$0x3F9B] =	sst lr;
	_ =	strace $0xD0000000  }
0x3: {  	_ = 	snop  }
0x4: {  	_ = 	snop  }
0x5: {  	_ = 	snop  }
0x6: {  	_ = 	snop  }
0x7: {  	_ = 	snop  }
__scs_overlays_trampoline_lowered:
0x8: {  	[smem:$0x3FAA] =	sst s0  }
0x9: {  	[smem:$0x3FAB] =	sst s1  }
0xa: {  	[smem:$0x3FAC] =	sst s2  }
0xb: {  	[smem:$0x3FAD] =	sst s3  }
0xc: {  	[smem:$0x3FAE] =	sst s4  }
0xd: {  	[smem:$0x3FAF] =	sst s5  }
0xe: {  	[smem:$0x3FB0] =	sst s6  }
0xf: {  	[smem:$0x3FB1] =	sst s7  }
0x10: {  	[smem:$0x3FB2] =	sst s8  }
0x11: {  	[smem:$0x3FB3] =	sst s9;
	s0 =	simm.s32 @!p0 $0x0  }
0x12: {  	s1 =	sld [smem:$0x3F99];
	s0 =	simm.s32 @p0 $0x1  }
0x13: {  	[smem:$0x3FB4] =	sst s0;
	s0 =	simm.s32 @!p1 $0x0  }
0x14: {  	s2 =	sld [smem:$0x3F98];
	s0 =	simm.s32 @p1 $0x1  }
0x15: {  	[smem:$0x3FB5] =	sst s0;
	s0 =	simm.s32 @!p2 $0x0  }
0x16: {  	s3 =	sld [smem:$0x3FDB];
	s0 =	simm.s32 @p2 $0x1  }
0x17: {  	s4 =	simm.s32 $0x1BF5;
	[smem:$0x3FB7] =	sst s0  }
0x18: {  	s0 =	sld [smem:$0x3F9A];
	_ =	swait.ge [sflag:s4], $0x0  }
0x19: {  	s7 =	sld [smem:$0x3F9B]  }
0x1a: {  	s8 =	sadd.s32 $0xFFFFE003, lr  }
0x1b: {  	s9 =	sadd.s32 $0xFFFFFEF7, lr;
	s5 =	simm.s32 $0xFFFFFFFF;
	p2 =	slt.u32 s8, $0xFFFFF086  }
0x1c: {  	p1 =	slt.u32 s9, $0xF7A;
	s5 =	simm.s32 @!p2 $0x0  }
0x1d: {  	s5 =	simm.s32 @p1 $0x1;
	p0 =	seq.s32 s7, s2  }
0x1e: {  	s7 =	smul.u32 @!p0 $0xF7A, s2;
	p2 =	seq.s32 @!p0 s5, $0x0  }
0x1f: {  	s9 =	smul.u32 $0xF7A, s1;
	s8 =	simm.s32 @!p0 $0x1BF5;
	p2 =	por !p2, p0  }
0x20: {  	[sflag:s8] =	ssyncset.s32 @!p0 $0xFFFFF086;
	s6 =	sadd.s32 @!p0 s3, s7;
	s7 =	simm.s32 @!p0 $0x108  }
0x21: {  	s3 =	sadd.s32 s3, s9;
	s6 =	sadd.s32 @!p0 $0x88, s6;
	s7 =	simm.s32 @p2 $0x1082  }
0x22: {  	[simem:s7], [sflag:s8] =	dma.local @!p0 [hbm:s6], $0xF7A  }
0x23: {  	s9 =	sor.u32 $0xD0000000, s2;
	s6 =	simm.s32 $0x108;
	_ =	swait.ge @!p0 [sflag:s8], $0x0  }
0x24: {  	s3 =	sadd.s32 $0x88, s3;
	s6 =	simm.s32 @!p1 $0x1082;
	[sflag:s4] =	ssyncset.s32 $0xFFFFF086  }
0x25: {  	[simem:s6], [sflag:s4] =	dma.local [hbm:s3], $0xF7A  }
0x26: {  	[smem:$0x3F9B] =	sst s1;
	(tag) =	ssettag s2;
	_ =	strace s9  }
0x27: {  	s1 =	sld [smem:$0x3FAB]  }
0x28: {  	s2 =	sld [smem:$0x3FAC]  }
0x29: {  	s4 =	sld [smem:$0x3FAE]  }
0x2a: {  	p0 =	seq.s32 s5, $0x0;
	s5 =	sld [smem:$0x3FAF]  }
0x2b: {  	s6 =	sld [smem:$0x3FB0]  }
0x2c: {  	s7 =	sld [smem:$0x3FB1]  }
0x2d: {  	s3 =	simm.s32 $0x108;
	s8 =	sld [smem:$0x3FB2]  }
0x2e: {  	s3 =	simm.s32 @!p0 $0x1082;
	s9 =	sld [smem:$0x3FB3]  }
0x2f: {  	lr =	sadd.s32 s0, s3;
	s0 =	sld [smem:$0x3FAA]  }
0x30: {  	s3 =	sld [smem:$0x3FAD]  }
0x31: {  	[smem:$0x3FB6] =	sst s10  }
0x32: {  	s10 =	sld [smem:$0x3FB4];
	_ =	sdelay $0x3  }
0x33: {  	p0 =	seq.s32 s10, $0x1;
	s10 =	sld [smem:$0x3FB6];
	_ =	sdelay $0x3  }
0x34: {  	[smem:$0x3FB6] =	sst s10  }
0x35: {  	s10 =	sld [smem:$0x3FB5];
	_ =	sdelay $0x3  }
0x36: {  	p1 =	seq.s32 s10, $0x1;
	s10 =	sld [smem:$0x3FB6];
	_ =	sdelay $0x3  }
0x37: {  	[smem:$0x3FB6] =	sst s10  }
0x38: {  	s10 =	sld [smem:$0x3FB7]  }
0x39: {  	_ = 	snop;
	(pc) =	sbr.ind lr, $3  }
0x3a: {  	_ = 	snop  }
0x3b: {  	_ = 	snop  }
0x3c: {  	p2 =	seq.s32 s10, $0x1;
	s10 =	sld [smem:$0x3FB6]  }
0x3d: {  	_ =	shalt  }
0x3e: {  	_ =	shalt  }
0x3f: {  	_ =	shalt  }
0x40: {  	_ =	shalt  }
0x41: {  	_ =	shalt  }
0x42: {  	_ =	shalt  }
0x43: {  	_ =	shalt  }
0x44: {  	_ =	shalt  }
0x45: {  	_ =	shalt  }
0x46: {  	_ =	shalt  }
0x47: {  	_ =	shalt  }
0x48: {  	_ =	shalt  }
0x49: {  	_ =	shalt  }
0x4a: {  	_ =	shalt  }
0x4b: {  	_ =	shalt  }
0x4c: {  	_ =	shalt  }
0x4d: {  	_ =	shalt  }
0x4e: {  	_ =	shalt  }
0x4f: {  	_ =	shalt  }
0x50: {  	_ =	shalt  }
0x51: {  	_ =	shalt  }
0x52: {  	_ =	shalt  }
0x53: {  	_ =	shalt  }
0x54: {  	_ =	shalt  }
0x55: {  	_ =	shalt  }
0x56: {  	_ =	shalt  }
0x57: {  	_ =	shalt  }
0x58: {  	_ =	shalt  }
0x59: {  	_ =	shalt  }
0x5a: {  	_ =	shalt  }
0x5b: {  	_ =	shalt  }
0x5c: {  	_ =	shalt  }
0x5d: {  	_ =	shalt  }
0x5e: {  	_ =	shalt  }
0x5f: {  	_ =	shalt  }
0x60: {  	_ =	shalt  }
0x61: {  	_ =	shalt  }
0x62: {  	_ =	shalt  }
0x63: {  	_ =	shalt  }
0x64: {  	_ =	shalt  }
0x65: {  	_ =	shalt  }
0x66: {  	_ =	shalt  }
0x67: {  	_ =	shalt  }
0x68: {  	_ =	shalt  }
0x69: {  	_ =	shalt  }
0x6a: {  	_ =	shalt  }
0x6b: {  	_ =	shalt  }
0x6c: {  	_ =	shalt  }
0x6d: {  	_ =	shalt  }
0x6e: {  	_ =	shalt  }
0x6f: {  	_ =	shalt  }
0x70: {  	_ =	shalt  }
0x71: {  	_ =	shalt  }
0x72: {  	_ =	shalt  }
0x73: {  	_ =	shalt  }
0x74: {  	_ =	shalt  }
0x75: {  	_ =	shalt  }
0x76: {  	_ =	shalt  }
0x77: {  	_ =	shalt  }
0x78: {  	_ =	shalt  }
0x79: {  	_ =	shalt  }
0x7a: {  	_ =	shalt  }
0x7b: {  	_ =	shalt  }
0x7c: {  	_ =	shalt  }
0x7d: {  	_ =	shalt  }
0x7e: {  	_ =	shalt  }
0x7f: {  	_ =	shalt  }
0x80: {  	_ =	shalt  }
0x81: {  	_ =	shalt  }
0x82: {  	_ =	shalt  }
0x83: {  	_ =	shalt  }
0x84: {  	_ =	shalt  }
0x85: {  	_ =	shalt  }
0x86: {  	_ =	shalt  }
0x87: {  	_ =	shalt  }
.Lfunc_end0:
.L_simem_size_0:
called_computation_lowered:
.L_overlay_start_0:
0x88: {  	s2 =	sld [smem:$0x3FD9]  }
0x89: {  	s3 =	sld [smem:$0x3FFE];
	_ =	sdelay $0x1  }
0x8a: {  	s1 =	srdreg.scid  }
0x8b: {  	s0 =	sand.u32 $0x1, s1  }
0x8c: {  	s17 =	sshll.u32 s0, $0xA;
	s2 =	sadd.s32 s3, s2  }
0x8d: {  	s2 =	sadd.s32 s2, s17  }
0x8e: {  	[smem:$0x3FC2] =	sst s2  }
0x8f: {  	_ = 	snop  }
0x90: {  	s2 =	sld [smem:$0x3FD0];
	(tm) =	ssettm $0x1  }
0x91: {  	s18 =	sld [smem:$0x3FFB];
	_ =	sdelay $0x3  }
0x92: {  	_ =	strace s18  }
0x93: {  	s3 =	sld [smem:$0x3FFC];
	_ =	sdelay $0x3  }
0x94: {  	_ =	strace s3  }
0x95: {  	s3 =	sld [smem:$0x3FFD];
	_ =	sdelay $0x3  }
0x96: {  	_ =	strace s3  }
0x97: {  	_ =	strace $0x8FFFFFFF  }
0x98: {  	s19 =	sld [smem:$0x3FDB];
	_ =	sdelay $0x1  }
0x99: {  	s4 =	simm.s32 $_scs_section_size  }
0x9a: {  	s5 =	simm.s32 $_size__tile_overlayer_lowered;
	s6 =	simm.s32 $_tile_overlayer_lowered  }
0x9b: {  	s22 =	simm.s32 $0x1BFF;
	s21 =	sshll.u32 s6, $0x1;
	s3 =	sadd.s32 s4, s19  }
0x9c: {  	s7 =	simm.s32 $0x0;
	s20 =	sshll.u32 s5, $0x1;
	s5 =	sadd.s32 s21, s3  }
0x9d: {  	[timem:s7], [sflag:s22] =	dma.local [hbm:s5], s20  }
0x9e: {  	_ =	swait.ge [sflag:s22], s20  }
0x9f: {  	s4 =	ssub.s32 $0x0, s20;
	[sflag:s22] =	ssyncset.done $0x0  }
0xa0: {  	[sflag:s22] =	ssyncadd.s32 s4;
	_ =	sdelay $0x1  }
0xa1: {  	s23 =	simm.s32 $0x1B8B  }
0xa2: {  	_ =	swait.ge [sflag:s23], $0x1  }
0xa3: {  	[sflag:s23] =	ssyncset.done $0x0  }
0xa4: {  	s25 =	simm.s32 $0x1B8E;
	s24 =	sld [smem:$0x3FFE];
	[sflag:s23] =	ssyncadd.s32 $0xFFFFFFFF  }
0xa5: {  	s26 =	simm.s32 $execute0_lowered;
	[smem:$0x3FD2] =	sst s25  }
0xa6: {  	s5 =	sshll.u32 s26, $0x1;
	_ =	strace $0x80000046;
	[dreg:$0x1] =	wrdreg $0xFFFFFFFF  }
0xa7: {  	s28 =	simm.s32 $_size_execute0_lowered;
	s3 =	sadd.s32 s3, s5;
	[dreg:$0x0] =	wrdreg $0x0  }
0xa8: {  	s5 =	sshll.u32 s28, $0x1;
	[dreg:$0x2] =	wrdreg s3  }
0xa9: {  	[dreg:$0x3] =	wrdreg s5  }
0xaa: {  	[dreg:$0x4] =	wrdreg $0xC0  }
0xab: {  	_ =	task [dreg:s7], $0x5FFFF  }
0xac: {  	[dreg:$0x1] =	wrdreg $0xFFFFFFFF  }
0xad: {  	[dreg:$0x0] =	wrdreg $0x60  }
0xae: {  	[dreg:$0x2] =	wrdreg s24  }
0xaf: {  	[dreg:$0x3] =	wrdreg s2  }
0xb0: {  	[dreg:$0x4] =	wrdreg $0x9  }
0xb1: {  	_ =	task.clear_ibuf [dreg:s7], $0x5FFFF;
	_ =	strace $0x90000046  }
0xb2: {  	s29 =	simm.s32 $0x9;
	_ =	strace $0x80000048  }
0xb3: {  	_ =	swait.ge [sflag:s29], $0x1  }
0xb4: {  	[sflag:s29] =	ssyncadd.s32 $0xFFFFFFFF  }
0xb5: {  	_ =	strace $0x90000048  }
0xb6: {  	_ =	sfence  }
0xb7: {  	s30 =	sld [smem:$0x0];
	_ =	sdelay $0x2  }
0xb8: {  	s31 =	sshll.u32 s1, $0xD;
	s1 =	sshrl.u32 s1, $0x2  }
0xb9: {  	s3 =	sand.u32 $0x4000, s31;
	s1 =	sadd.s32 s1, s30  }
0xba: {  	s0 =	sor.u32 s3, s0;
	s1 =	sshll.u32 s1, $0x11  }
0xbb: {  	s0 =	sor.u32 s1, s0  }
0xbc: {  	s0 =	sadd.s32 $0x8F2B, s0  }
0xbd: {  	[sflag:s0] =	ssyncadd.remote.s32 $0x1  }
0xbe: {  	_ =	sfence.sel $0xFFFF  }
0xbf: {  	[dreg:$0x0] =	wrdreg $0xFFFFFFFF;
	(pc) =	sbr.abs _section_cstart, $3  }
0xc0: {  	[dreg:$0x1] =	wrdreg $0xFFFFFFFF  }
0xc1: {  	_ =	task.clear_ibuf [dreg:s7], $0x2FFFF;
	_ =	strace $0x9FFFFFFF  }
0xc2: {  	(tm) =	ssettm $0x7FFFFFFF  }
0xc3: {  	_ =	shalt  }
tec
execute0_lowered:
.L_overlay_start_1:
0x0: {  	(tag) =	ssettag $0x1  }
0x1: {  	s0 =	rddreg [dreg:$0x0]  }
0x2: {  	s1 =	rddreg [dreg:$0x1]  }
0x3: {  	s3 =	srdreg.scid;
	s18 =	stileid.u32;
	s2 =	simm.s32 $0x0  }
0x4: {  	s3 =	sand.u32 $0x1, s3;
	s4 =	sshll.u32 s18, $0x1;
	[smem:$0x7FF] =	sst s2  }
0x5: {  	s5 =	sadd.s32 $0x5A00, s0;
	s7 =	smul.u32 $0xC800, s18;
	s10 =	sadd.s32 $0x1EA00, s0  }
0x6: {  	s6 =	sor.u32 s3, s4;
	s17 =	ssub.s32 $0x2, s3;
	s14 =	smul.u32 $0x6400, s3  }
0x7: {  	s12 =	sadd.s32 $0x37A00, s0;
	s13 =	smul.u32 $0x6400, s6;
	s8 =	sshrl.u32 s17, $0x1  }
0x8: {  	s6 =	smul.u32 $0x64000, s6;
	s4 =	ssub.s32 s17, s8;
	s14 =	sadd.s32 s14, s7  }
0x9: {  	s11 =	sor.u32 $0x80, s13;
	s9 =	sor.u32 $0x100, s13;
	s8 =	sor.u32 $0x180, s13  }
0xa: {  	s7 =	sor.u32 $0x200, s13;
	s13 =	sshrl.u32 s13, $0x3;
	s6 =	sadd.s32 s1, s6  }
0xb: {  	_ =	strace $0x80000047;
	s16 =	sadd.s32 s5, s13;
	[smem:$0x7F7] =	sst s6  }
0xc: {  	s15 =	sor.u32 $0x280, s14;
	s19 =	sadd.s32 s10, s13;
	[dreg:$0x12] =	wrdreg s16  }
0xd: {  	s15 =	sshrl.u32 s15, $0x3;
	s13 =	sadd.s32 s12, s13;
	[dreg:$0x13] =	wrdreg s19  }
0xe: {  	[dreg:$0x14] =	wrdreg s13;
	s20 =	sadd.s32 s15, s12  }
0xf: {  	s17 =	sadd.s32 $0x480, s14;
	s21 =	sadd.s32 s15, s10;
	[dreg:$0x3] =	wrdreg s20  }
0x10: {  	s22 =	sshrl.u32 s17, $0x3;
	s15 =	sadd.s32 s15, s5;
	[dreg:$0x4] =	wrdreg s21  }
0x11: {  	s24 =	sadd.s32 s22, s12;
	[dreg:$0x5] =	wrdreg s15  }
0x12: {  	s25 =	sadd.s32 s22, s10;
	[dreg:$0x6] =	wrdreg s24  }
0x13: {  	s13 =	sshrl.u32 s11, $0x3;
	s16 =	sadd.s32 s22, s5;
	[dreg:$0x7] =	wrdreg s25  }
0x14: {  	s26 =	sadd.s32 $0x400, s14;
	s23 =	sadd.s32 s5, s13;
	[dreg:$0x8] =	wrdreg s16  }
0x15: {  	s19 =	sshrl.u32 s26, $0x3;
	s20 =	sadd.s32 s10, s13;
	[dreg:$0x15] =	wrdreg s23  }
0x16: {  	s31 =	simm.s32 $0x80;
	s21 =	sadd.s32 s19, s12;
	[dreg:$0x16] =	wrdreg s20  }
0x17: {  	s28 =	simm.s32 $0x300;
	s22 =	sadd.s32 s19, s10;
	[dreg:$0x9] =	wrdreg s21  }
0x18: {  	s29 =	simm.s32 $0x100;
	s13 =	sadd.s32 s12, s13;
	[dreg:$0xa] =	wrdreg s22  }
0x19: {  	s17 =	sshrl.u32 s9, $0x3;
	s24 =	sadd.s32 s19, s5;
	[dreg:$0x17] =	wrdreg s13  }
0x1a: {  	s30 =	simm.s32 $0x600;
	[dreg:$0xb] =	wrdreg s24;
	s20 =	sadd.s32 s5, s17  }
0x1b: {  	s23 =	sor.u32 $0x380, s14;
	s22 =	sadd.s32 s10, s17;
	[dreg:$0x18] =	wrdreg s20  }
0x1c: {  	s25 =	sshrl.u32 s23, $0x3;
	[dreg:$0x19] =	wrdreg s22;
	s22 =	smax.u32 s4, $0x1  }
0x1d: {  	s3 =	smul.u32 $0x64000, s3;
	s26 =	sadd.s32 s25, s12;
	[smem:$0x7FC] =	sst s22  }
0x1e: {  	s14 =	sor.u32 $0x300, s14;
	s15 =	sadd.s32 s25, s10;
	[dreg:$0xc] =	wrdreg s26  }
0x1f: {  	s14 =	sshrl.u32 s14, $0x3;
	s16 =	sadd.s32 s25, s5;
	[dreg:$0xd] =	wrdreg s15  }
0x20: {  	s23 =	sshrl.u32 s8, $0x3;
	s19 =	sadd.s32 s14, s12;
	[dreg:$0xe] =	wrdreg s16  }
0x21: {  	s4 =	simm.s32 $0xE;
	s21 =	sadd.s32 s14, s10;
	[dreg:$0xf] =	wrdreg s19  }
0x22: {  	s24 =	sadd.s32 s5, s23;
	s25 =	sadd.s32 s10, s23;
	[dreg:$0x10] =	wrdreg s21  }
0x23: {  	s13 =	sadd.s32 s12, s23;
	s23 =	sadd.s32 $0x50A00, s0;
	[dreg:$0x1b] =	wrdreg s24  }
0x24: {  	s22 =	simm.s32 $0x280;
	s15 =	sadd.s32 s12, s17;
	[dreg:$0x1c] =	wrdreg s25  }
0x25: {  	[dreg:$0x1d] =	wrdreg s13;
	s26 =	sshrl.u32 s7, $0x3;
	s16 =	sshll.u32 s9, $0x4  }
0x26: {  	s17 =	smul.u32 $0xC8000, s18;
	s18 =	sshll.u32 s8, $0x4;
	s19 =	sshll.u32 s7, $0x4  }
0x27: {  	s24 =	sadd.s32 $0x1A00, s0;
	s25 =	sadd.s32 $0x1D7400, s0;
	s7 =	simm.s32 $0x380  }
0x28: {  	s8 =	simm.s32 $0x180;
	[dreg:$0x1a] =	wrdreg s15;
	s10 =	sadd.s32 s10, s26  }
0x29: {  	s12 =	sadd.s32 s12, s26;
	s13 =	sadd.s32 s5, s26;
	[dreg:$0x1e] =	wrdreg s10  }
0x2a: {  	s5 =	sadd.s32 s14, s5;
	s15 =	sshll.u32 s11, $0x4;
	[dreg:$0x1f] =	wrdreg s12  }
0x2b: {  	s14 =	simm.s32 $0x2;
	[smem:$0x7F6] =	sst s13;
	s6 =	sadd.s32 s1, s15  }
0x2c: {  	s20 =	sadd.s32 s17, s1;
	[dreg:$0x11] =	wrdreg s5;
	s12 =	simm.s32 $0x1  }
0x2d: {  	s13 =	simm.s32 $0x780;
	s15 =	simm.s32 $0x4780;
	s17 =	simm.s32 $0x8780  }
0x2e: {  	s5 =	simm.s32 $0xF;
	s10 =	simm.s32 $0x0;
	[smem:$0x7F8] =	sst s6  }
0x2f: {  	s6 =	sadd.s32 s1, s16;
	s21 =	sadd.s32 s3, s20;
	s16 =	simm.s32 $0x3  }
0x30: {  	s20 =	simm.s32 $0x5;
	[smem:$0x7F9] =	sst s6;
	s6 =	sadd.s32 s1, s18  }
0x31: {  	s3 =	simm.s32 $0xD;
	s1 =	sadd.s32 s1, s19;
	[smem:$0x7FA] =	sst s6  }
0x32: {  	s26 =	sadd.s32 $0x2800, s21;
	s18 =	simm.s32 $0x4;
	[smem:$0x7FB] =	sst s1  }
0x33: {  	s19 =	simm.s32 $0xC780;
	s21 =	simm.s32 $0xB;
	[smem:$0x7FD] =	sst s26  }
0x34: {  	s26 =	simm.s32 $0x500;
	s6 =	simm.s32 $0x580;
	s1 =	simm.s32 $0xC  }
.LBB2_1:
0x35: {  	[smem:$0x7F5] =	sst s10  }
0x36: {  	s11 =	rddreg [dreg:$0x12]  }
0x37: {  	[tilespmem:s2], [sflag:$0x1] =	stream.linear.gather [hbm4b:s11+s2], $0x80, $0x38;
	[tilespmem:$0x14780] =	vst v63  }
0x38: {  	s10 =	rddreg [dreg:$0x13]  }
0x39: {  	[tilespmem:s22], [sflag:$0x1] =	stream.linear.gather [hbm4b:s10+s2], $0x80, $0x38;
	[tilespmem:$0x14780] =	vst v63  }
0x3a: {  	s0 =	rddreg [dreg:$0x14]  }
0x3b: {  	[tilespmem:s26], [sflag:$0x1] =	stream.linear.gather [hbm4b:s0+s2], $0x80, $0x38;
	[tilespmem:$0x14780] =	vst v63  }
0x3c: {  	s9 =	rddreg [dreg:$0x15]  }
0x3d: {  	[tilespmem:s31], [sflag:$0x2] =	stream.linear.gather [hbm4b:s9+s2], $0x80, $0x38;
	[tilespmem:$0x14780] =	vst v63  }
0x3e: {  	s10 =	rddreg [dreg:$0x16]  }
0x3f: {  	[tilespmem:s28], [sflag:$0x2] =	stream.linear.gather [hbm4b:s10+s2], $0x80, $0x38;
	[tilespmem:$0x14780] =	vst v63  }
0x40: {  	s0 =	rddreg [dreg:$0x17]  }
0x41: {  	[tilespmem:s6], [sflag:$0x2] =	stream.linear.gather [hbm4b:s0+s2], $0x80, $0x38;
	[tilespmem:$0x14780] =	vst v63  }
0x42: {  	s9 =	rddreg [dreg:$0x18]  }
0x43: {  	[tilespmem:s29], [sflag:$0x3] =	stream.linear.gather [hbm4b:s9+s2], $0x80, $0x38;
	[tilespmem:$0x14780] =	vst v63  }
0x44: {  	s10 =	rddreg [dreg:$0x19]  }
0x45: {  	[tilespmem:s7], [sflag:$0x3] =	stream.linear.gather [hbm4b:s10+s2], $0x80, $0x38;
	[tilespmem:$0x14780] =	vst v63  }
0x46: {  	s0 =	rddreg [dreg:$0x1a]  }
0x47: {  	[tilespmem:s30], [sflag:$0x3] =	stream.linear.gather [hbm4b:s0+s2], $0x80, $0x38;
	[tilespmem:$0x14780] =	vst v63  }
0x48: {  	s9 =	rddreg [dreg:$0x1b]  }
0x49: {  	[tilespmem:s8], [sflag:$0x4] =	stream.linear.gather [hbm4b:s9+s2], $0x80, $0x38;
	[tilespmem:$0x14780] =	vst v63  }
0x4a: {  	s10 =	rddreg [dreg:$0x1c];
	s0 =	simm.s32 $0x400  }
0x4b: {  	[tilespmem:s0], [sflag:$0x4] =	stream.linear.gather [hbm4b:s10+s2], $0x80, $0x38;
	[tilespmem:$0x14780] =	vst v63  }
0x4c: {  	s9 =	rddreg [dreg:$0x1d];
	s10 =	simm.s32 $0x680  }
0x4d: {  	[tilespmem:s10], [sflag:$0x4] =	stream.linear.gather [hbm4b:s9+s2], $0x80, $0x38;
	[tilespmem:$0x14780] =	vst v63  }
0x4e: {  	s9 =	sld [smem:$0x7F6];
	_ =	sdelay $0x1  }
0x4f: {  	s10 =	simm.s32 $0x200  }
0x50: {  	[tilespmem:s10], [sflag:$0x5] =	stream.linear.gather [hbm4b:s9+s2], $0x80, $0x38;
	[tilespmem:$0x14780] =	vst v63  }
0x51: {  	s0 =	rddreg [dreg:$0x1e];
	s10 =	simm.s32 $0x480  }
0x52: {  	[tilespmem:s10], [sflag:$0x5] =	stream.linear.gather [hbm4b:s0+s2], $0x80, $0x38;
	[tilespmem:$0x14780] =	vst v63  }
0x53: {  	s0 =	rddreg [dreg:$0x1f];
	s10 =	simm.s32 $0x700  }
0x54: {  	[tilespmem:s10], [sflag:$0x5] =	stream.linear.gather [hbm4b:s0+s2], $0x80, $0x38;
	[tilespmem:$0x14780] =	vst v63  }
0x55: {  	_ =	swait.ge [sflag:s12], $0x80  }
0x56: {  	[sflag:s12] =	ssyncset.done $0x0  }
0x57: {  	[sflag:s12] =	ssyncadd.s32 $0xFFFFFF80  }
0x58: {  	_ =	swait.ge [sflag:s12], $0x80  }
0x59: {  	[sflag:s12] =	ssyncset.done $0x0  }
0x5a: {  	[sflag:s12] =	ssyncadd.s32 $0xFFFFFF80  }
0x5b: {  	_ =	swait.ge [sflag:s12], $0x80  }
0x5c: {  	[sflag:s12] =	ssyncset.done $0x0  }
0x5d: {  	[sflag:s12] =	ssyncadd.s32 $0xFFFFFF80  }
0x5e: {  	[tilespmem:s13], [sflag:$0x6] =	stream.indirect.gather [hbm4b:s23+s31], $0x80, s2, s31, $0xb8;
	[tilespmem:$0x14780] =	vst v63  }
0x5f: {  	_ =	swait.ge [sflag:s14], $0x80  }
0x60: {  	[sflag:s14] =	ssyncset.done $0x0  }
0x61: {  	[sflag:s14] =	ssyncadd.s32 $0xFFFFFF80  }
0x62: {  	_ =	swait.ge [sflag:s14], $0x80  }
0x63: {  	[sflag:s14] =	ssyncset.done $0x0  }
0x64: {  	[sflag:s14] =	ssyncadd.s32 $0xFFFFFF80  }
0x65: {  	_ =	swait.ge [sflag:s14], $0x80  }
0x66: {  	[sflag:s14] =	ssyncset.done $0x0  }
0x67: {  	[sflag:s14] =	ssyncadd.s32 $0xFFFFFF80  }
0x68: {  	[tilespmem:s15], [sflag:$0x7] =	stream.indirect.gather [hbm4b:s23+s31], $0x80, s31, s31, $0xb8;
	[tilespmem:$0x14780] =	vst v63  }
0x69: {  	_ =	swait.ge [sflag:s16], $0x80  }
0x6a: {  	[sflag:s16] =	ssyncset.done $0x0  }
0x6b: {  	[sflag:s16] =	ssyncadd.s32 $0xFFFFFF80  }
0x6c: {  	_ =	swait.ge [sflag:s16], $0x80  }
0x6d: {  	[sflag:s16] =	ssyncset.done $0x0  }
0x6e: {  	[sflag:s16] =	ssyncadd.s32 $0xFFFFFF80  }
0x6f: {  	_ =	swait.ge [sflag:s16], $0x80  }
0x70: {  	[sflag:s16] =	ssyncset.done $0x0  }
0x71: {  	[sflag:s16] =	ssyncadd.s32 $0xFFFFFF80  }
0x72: {  	[tilespmem:s17], [sflag:$0x8] =	stream.indirect.gather [hbm4b:s23+s31], $0x80, s29, s31, $0xb8;
	[tilespmem:$0x14780] =	vst v63  }
0x73: {  	_ =	swait.ge [sflag:s18], $0x80  }
0x74: {  	[sflag:s18] =	ssyncset.done $0x0  }
0x75: {  	[sflag:s18] =	ssyncadd.s32 $0xFFFFFF80  }
0x76: {  	_ =	swait.ge [sflag:s18], $0x80  }
0x77: {  	[sflag:s18] =	ssyncset.done $0x0  }
0x78: {  	[sflag:s18] =	ssyncadd.s32 $0xFFFFFF80  }
0x79: {  	_ =	swait.ge [sflag:s18], $0x80  }
0x7a: {  	[sflag:s18] =	ssyncset.done $0x0  }
0x7b: {  	[sflag:s18] =	ssyncadd.s32 $0xFFFFFF80  }
0x7c: {  	[tilespmem:s19], [sflag:$0x9] =	stream.indirect.gather [hbm4b:s23+s31], $0x80, s8, s31, $0xb8;
	[tilespmem:$0x14780] =	vst v63  }
0x7d: {  	_ =	swait.ge [sflag:s20], $0x80  }
0x7e: {  	[sflag:s20] =	ssyncset.done $0x0  }
0x7f: {  	[sflag:s20] =	ssyncadd.s32 $0xFFFFFF80  }
0x80: {  	_ =	swait.ge [sflag:s20], $0x80  }
0x81: {  	[sflag:s20] =	ssyncset.done $0x0  }
0x82: {  	[sflag:s20] =	ssyncadd.s32 $0xFFFFFF80  }
0x83: {  	_ =	swait.ge [sflag:s20], $0x80  }
0x84: {  	[sflag:s20] =	ssyncset.done $0x0  }
0x85: {  	s9 =	simm.s32 $0x200;
	s0 =	simm.s32 $0x10780;
	[sflag:s20] =	ssyncadd.s32 $0xFFFFFF80  }
0x86: {  	[tilespmem:s0], [sflag:$0xA] =	stream.indirect.gather [hbm4b:s23+s31], $0x80, s9, s31, $0xb8;
	[tilespmem:$0x14780] =	vst v63  }
0x87: {  	s9 =	simm.s32 $0x6  }
0x88: {  	_ =	swait.ge [sflag:s9], $0x4000  }
0x89: {  	[sflag:s9] =	ssyncset.done $0x0  }
0x8a: {  	[sflag:s9] =	ssyncadd.s32 $0xFFFFC000  }
0x8b: {  	[tilespmem:s13], [sflag:$0xB] =	stream.indirect.gather.add.f32 [hbm:s24], $0x80, s22, s31, $0xb8;
	[tilespmem:$0x14780] =	vst v63  }
0x8c: {  	s10 =	simm.s32 $0x7  }
0x8d: {  	[tilespmem:s13], [sflag:$0xB] =	stream.indirect.gather.add.f32 [hbm:s25], $0x80, s26, s31, $0xb8;
	[tilespmem:$0x14780] =	vst v63  }
0x8e: {  	_ =	swait.ge [sflag:s10], $0x4000  }
0x8f: {  	[sflag:s10] =	ssyncset.done $0x0  }
0x90: {  	[sflag:s10] =	ssyncadd.s32 $0xFFFFC000  }
0x91: {  	[tilespmem:s15], [sflag:$0xC] =	stream.indirect.gather.add.f32 [hbm:s24], $0x80, s28, s31, $0xb8;
	[tilespmem:$0x14780] =	vst v63  }
0x92: {  	s22 =	simm.s32 $0x8  }
0x93: {  	[tilespmem:s15], [sflag:$0xC] =	stream.indirect.gather.add.f32 [hbm:s25], $0x80, s6, s31, $0xb8;
	[tilespmem:$0x14780] =	vst v63  }
0x94: {  	_ =	swait.ge [sflag:s22], $0x4000  }
0x95: {  	[sflag:s22] =	ssyncset.done $0x0  }
0x96: {  	[sflag:s22] =	ssyncadd.s32 $0xFFFFC000  }
0x97: {  	[tilespmem:s17], [sflag:$0xD] =	stream.indirect.gather.add.f32 [hbm:s24], $0x80, s7, s31, $0xb8;
	[tilespmem:$0x14780] =	vst v63  }
0x98: {  	s26 =	simm.s32 $0x9  }
0x99: {  	[tilespmem:s17], [sflag:$0xD] =	stream.indirect.gather.add.f32 [hbm:s25], $0x80, s30, s31, $0xb8;
	[tilespmem:$0x14780] =	vst v63  }
0x9a: {  	_ =	swait.ge [sflag:s26], $0x4000  }
0x9b: {  	[sflag:s26] =	ssyncset.done $0x0  }
0x9c: {  	s22 =	simm.s32 $0x400;
	[sflag:s26] =	ssyncadd.s32 $0xFFFFC000  }
0x9d: {  	[tilespmem:s19], [sflag:$0xE] =	stream.indirect.gather.add.f32 [hbm:s24], $0x80, s22, s31, $0xb8;
	[tilespmem:$0x14780] =	vst v63  }
0x9e: {  	s26 =	simm.s32 $0x680;
	s22 =	simm.s32 $0xA  }
0x9f: {  	[tilespmem:s19], [sflag:$0xE] =	stream.indirect.gather.add.f32 [hbm:s25], $0x80, s26, s31, $0xb8;
	[tilespmem:$0x14780] =	vst v63  }
0xa0: {  	_ =	swait.ge [sflag:s22], $0x4000  }
0xa1: {  	[sflag:s22] =	ssyncset.done $0x0  }
0xa2: {  	s26 =	simm.s32 $0x480;
	[sflag:s22] =	ssyncadd.s32 $0xFFFFC000  }
0xa3: {  	[tilespmem:s0], [sflag:$0xF] =	stream.indirect.gather.add.f32 [hbm:s24], $0x80, s26, s31, $0xb8;
	[tilespmem:$0x14780] =	vst v63  }
0xa4: {  	s22 =	simm.s32 $0x700  }
0xa5: {  	[tilespmem:s0], [sflag:$0xF] =	stream.indirect.gather.add.f32 [hbm:s25], $0x80, s22, s31, $0xb8;
	[tilespmem:$0x14780] =	vst v63  }
0xa6: {  	_ =	swait.ge [sflag:s21], $0x4000  }
0xa7: {  	[sflag:s21] =	ssyncset.done $0x0  }
0xa8: {  	[sflag:s21] =	ssyncadd.s32 $0xFFFFC000  }
0xa9: {  	_ =	swait.ge [sflag:s21], $0x4000  }
0xaa: {  	s26 =	sld [smem:$0x7F7]  }
0xab: {  	[sflag:s21] =	ssyncset.done $0x0  }
0xac: {  	[sflag:s21] =	ssyncadd.s32 $0xFFFFC000  }
0xad: {  	[hbm4b:s26+s2] =	stream.linear.scatter [tilespmem:s13], [sflag:$0x10], $0x4000, $0x38;
	[tilespmem:$0x14780] =	vst v63  }
0xae: {  	_ =	swait.ge [sflag:s1], $0x4000  }
0xaf: {  	[sflag:s1] =	ssyncset.done $0x0  }
0xb0: {  	[sflag:s1] =	ssyncadd.s32 $0xFFFFC000  }
0xb1: {  	_ =	swait.ge [sflag:s1], $0x4000  }
0xb2: {  	s22 =	sld [smem:$0x7F8]  }
0xb3: {  	[sflag:s1] =	ssyncset.done $0x0  }
0xb4: {  	[sflag:s1] =	ssyncadd.s32 $0xFFFFC000  }
0xb5: {  	[hbm4b:s22+s2] =	stream.linear.scatter [tilespmem:s15], [sflag:$0x11], $0x4000, $0x38;
	[tilespmem:$0x14780] =	vst v63  }
0xb6: {  	_ =	swait.ge [sflag:s3], $0x4000  }
0xb7: {  	[sflag:s3] =	ssyncset.done $0x0  }
0xb8: {  	[sflag:s3] =	ssyncadd.s32 $0xFFFFC000  }
0xb9: {  	_ =	swait.ge [sflag:s3], $0x4000  }
0xba: {  	s26 =	sld [smem:$0x7F9]  }
0xbb: {  	[sflag:s3] =	ssyncset.done $0x0  }
0xbc: {  	[sflag:s3] =	ssyncadd.s32 $0xFFFFC000  }
0xbd: {  	[hbm4b:s26+s2] =	stream.linear.scatter [tilespmem:s17], [sflag:$0x12], $0x4000, $0x38;
	[tilespmem:$0x14780] =	vst v63  }
0xbe: {  	_ =	swait.ge [sflag:s4], $0x4000  }
0xbf: {  	[sflag:s4] =	ssyncset.done $0x0  }
0xc0: {  	[sflag:s4] =	ssyncadd.s32 $0xFFFFC000  }
0xc1: {  	_ =	swait.ge [sflag:s4], $0x4000  }
0xc2: {  	s3 =	sld [smem:$0x7FA]  }
0xc3: {  	[sflag:s4] =	ssyncset.done $0x0  }
0xc4: {  	[sflag:s4] =	ssyncadd.s32 $0xFFFFC000  }
0xc5: {  	[hbm4b:s3+s2] =	stream.linear.scatter [tilespmem:s19], [sflag:$0x13], $0x4000, $0x38;
	[tilespmem:$0x14780] =	vst v63  }
0xc6: {  	_ =	swait.ge [sflag:s5], $0x4000  }
0xc7: {  	[sflag:s5] =	ssyncset.done $0x0  }
0xc8: {  	[sflag:s5] =	ssyncadd.s32 $0xFFFFC000  }
0xc9: {  	_ =	swait.ge [sflag:s5], $0x4000  }
0xca: {  	s4 =	sld [smem:$0x7FB]  }
0xcb: {  	[sflag:s5] =	ssyncset.done $0x0  }
0xcc: {  	s22 =	simm.s32 $0x10;
	[sflag:s5] =	ssyncadd.s32 $0xFFFFC000  }
0xcd: {  	[hbm4b:s4+s2] =	stream.linear.scatter [tilespmem:s0], [sflag:$0x14], $0x4000, $0x38;
	[tilespmem:$0x14780] =	vst v63  }
0xce: {  	_ =	swait.ge [sflag:s22], $0x4000  }
0xcf: {  	[sflag:s22] =	ssyncset.done $0x0  }
0xd0: {  	s26 =	simm.s32 $0x11;
	[sflag:s22] =	ssyncadd.s32 $0xFFFFC000  }
0xd1: {  	_ =	swait.ge [sflag:s26], $0x4000  }
0xd2: {  	[sflag:s26] =	ssyncset.done $0x0  }
0xd3: {  	s3 =	simm.s32 $0x12;
	[sflag:s26] =	ssyncadd.s32 $0xFFFFC000  }
0xd4: {  	_ =	swait.ge [sflag:s3], $0x4000  }
0xd5: {  	[sflag:s3] =	ssyncset.done $0x0  }
0xd6: {  	s4 =	simm.s32 $0x13;
	[sflag:s3] =	ssyncadd.s32 $0xFFFFC000  }
0xd7: {  	_ =	swait.ge [sflag:s4], $0x4000  }
0xd8: {  	[sflag:s4] =	ssyncset.done $0x0  }
0xd9: {  	s11 =	simm.s32 $0x14;
	[sflag:s4] =	ssyncadd.s32 $0xFFFFC000  }
0xda: {  	_ =	swait.ge [sflag:s11], $0x4000  }
0xdb: {  	s4 =	rddreg [dreg:$0x5];
	[sflag:s11] =	ssyncset.done $0x0  }
0xdc: {  	s22 =	rddreg [dreg:$0x4];
	[sflag:s11] =	ssyncadd.s32 $0xFFFFC000;
	s11 =	sadd.s32 $0x0, s4  }
0xdd: {  	[tilespmem:s2], [sflag:$0x1] =	stream.linear.gather [hbm4b:s11+s2], $0x80, $0x38;
	[tilespmem:$0x14780] =	vst v63  }
0xde: {  	s3 =	simm.s32 $0x280;
	s26 =	rddreg [dreg:$0x3];
	s11 =	sadd.s32 $0x0, s22  }
0xdf: {  	[tilespmem:s3], [sflag:$0x1] =	stream.linear.gather [hbm4b:s11+s2], $0x80, $0x38;
	[tilespmem:$0x14780] =	vst v63  }
0xe0: {  	s4 =	simm.s32 $0x500;
	s22 =	rddreg [dreg:$0x11];
	s3 =	sadd.s32 $0x0, s26  }
0xe1: {  	[tilespmem:s4], [sflag:$0x1] =	stream.linear.gather [hbm4b:s3+s2], $0x80, $0x38;
	[tilespmem:$0x14780] =	vst v63  }
0xe2: {  	s26 =	rddreg [dreg:$0x10];
	s3 =	sadd.s32 $0x0, s22  }
0xe3: {  	[tilespmem:s31], [sflag:$0x2] =	stream.linear.gather [hbm4b:s3+s2], $0x80, $0x38;
	[tilespmem:$0x14780] =	vst v63  }
0xe4: {  	s22 =	rddreg [dreg:$0xf];
	s3 =	sadd.s32 $0x0, s26  }
0xe5: {  	[tilespmem:s28], [sflag:$0x2] =	stream.linear.gather [hbm4b:s3+s2], $0x80, $0x38;
	[tilespmem:$0x14780] =	vst v63  }
0xe6: {  	s26 =	rddreg [dreg:$0xe];
	s3 =	sadd.s32 $0x0, s22  }
0xe7: {  	[tilespmem:s6], [sflag:$0x2] =	stream.linear.gather [hbm4b:s3+s2], $0x80, $0x38;
	[tilespmem:$0x14780] =	vst v63  }
0xe8: {  	s22 =	rddreg [dreg:$0xd];
	s3 =	sadd.s32 $0x0, s26  }
0xe9: {  	[tilespmem:s29], [sflag:$0x3] =	stream.linear.gather [hbm4b:s3+s2], $0x80, $0x38;
	[tilespmem:$0x14780] =	vst v63  }
0xea: {  	s26 =	rddreg [dreg:$0xc];
	s3 =	sadd.s32 $0x0, s22  }
0xeb: {  	[tilespmem:s7], [sflag:$0x3] =	stream.linear.gather [hbm4b:s3+s2], $0x80, $0x38;
	[tilespmem:$0x14780] =	vst v63  }
0xec: {  	s22 =	rddreg [dreg:$0xb];
	s3 =	sadd.s32 $0x0, s26  }
0xed: {  	[tilespmem:s30], [sflag:$0x3] =	stream.linear.gather [hbm4b:s3+s2], $0x80, $0x38;
	[tilespmem:$0x14780] =	vst v63  }
0xee: {  	s26 =	rddreg [dreg:$0xa];
	s3 =	sadd.s32 $0x0, s22  }
0xef: {  	[tilespmem:s8], [sflag:$0x4] =	stream.linear.gather [hbm4b:s3+s2], $0x80, $0x38;
	[tilespmem:$0x14780] =	vst v63  }
0xf0: {  	s11 =	sadd.s32 $0x0, s26;
	s22 =	rddreg [dreg:$0x9];
	s3 =	simm.s32 $0x400  }
0xf1: {  	[tilespmem:s3], [sflag:$0x4] =	stream.linear.gather [hbm4b:s11+s2], $0x80, $0x38;
	[tilespmem:$0x14780] =	vst v63  }
0xf2: {  	s26 =	rddreg [dreg:$0x8];
	s11 =	sadd.s32 $0x0, s22;
	s3 =	simm.s32 $0x680  }
0xf3: {  	[tilespmem:s3], [sflag:$0x4] =	stream.linear.gather [hbm4b:s11+s2], $0x80, $0x38;
	[tilespmem:$0x14780] =	vst v63  }
0xf4: {  	s22 =	rddreg [dreg:$0x7];
	s11 =	sadd.s32 $0x0, s26;
	s3 =	simm.s32 $0x200  }
0xf5: {  	[tilespmem:s3], [sflag:$0x5] =	stream.linear.gather [hbm4b:s11+s2], $0x80, $0x38;
	[tilespmem:$0x14780] =	vst v63  }
0xf6: {  	s26 =	rddreg [dreg:$0x6];
	s11 =	sadd.s32 $0x0, s22;
	s22 =	simm.s32 $0x480  }
0xf7: {  	[tilespmem:s22], [sflag:$0x5] =	stream.linear.gather [hbm4b:s11+s2], $0x80, $0x38;
	[tilespmem:$0x14780] =	vst v63  }
0xf8: {  	s11 =	sadd.s32 $0x0, s26;
	s26 =	simm.s32 $0x700  }
0xf9: {  	[tilespmem:s26], [sflag:$0x5] =	stream.linear.gather [hbm4b:s11+s2], $0x80, $0x38;
	[tilespmem:$0x14780] =	vst v63  }
0xfa: {  	_ =	swait.ge [sflag:s12], $0x80  }
0xfb: {  	[sflag:s12] =	ssyncset.done $0x0  }
0xfc: {  	[sflag:s12] =	ssyncadd.s32 $0xFFFFFF80  }
0xfd: {  	_ =	swait.ge [sflag:s12], $0x80  }
0xfe: {  	[sflag:s12] =	ssyncset.done $0x0  }
0xff: {  	[sflag:s12] =	ssyncadd.s32 $0xFFFFFF80  }
0x100: {  	_ =	swait.ge [sflag:s12], $0x80  }
0x101: {  	[sflag:s12] =	ssyncset.done $0x0  }
0x102: {  	[sflag:s12] =	ssyncadd.s32 $0xFFFFFF80  }
0x103: {  	[tilespmem:s13], [sflag:$0x6] =	stream.indirect.gather [hbm4b:s23+s31], $0x80, s2, s31, $0xb8;
	[tilespmem:$0x14780] =	vst v63  }
0x104: {  	_ =	swait.ge [sflag:s14], $0x80  }
0x105: {  	[sflag:s14] =	ssyncset.done $0x0  }
0x106: {  	[sflag:s14] =	ssyncadd.s32 $0xFFFFFF80  }
0x107: {  	_ =	swait.ge [sflag:s14], $0x80  }
0x108: {  	[sflag:s14] =	ssyncset.done $0x0  }
0x109: {  	[sflag:s14] =	ssyncadd.s32 $0xFFFFFF80  }
0x10a: {  	_ =	swait.ge [sflag:s14], $0x80  }
0x10b: {  	[sflag:s14] =	ssyncset.done $0x0  }
0x10c: {  	[sflag:s14] =	ssyncadd.s32 $0xFFFFFF80  }
0x10d: {  	[tilespmem:s15], [sflag:$0x7] =	stream.indirect.gather [hbm4b:s23+s31], $0x80, s31, s31, $0xb8;
	[tilespmem:$0x14780] =	vst v63  }
0x10e: {  	_ =	swait.ge [sflag:s16], $0x80  }
0x10f: {  	[sflag:s16] =	ssyncset.done $0x0  }
0x110: {  	[sflag:s16] =	ssyncadd.s32 $0xFFFFFF80  }
0x111: {  	_ =	swait.ge [sflag:s16], $0x80  }
0x112: {  	[sflag:s16] =	ssyncset.done $0x0  }
0x113: {  	[sflag:s16] =	ssyncadd.s32 $0xFFFFFF80  }
0x114: {  	_ =	swait.ge [sflag:s16], $0x80  }
0x115: {  	[sflag:s16] =	ssyncset.done $0x0  }
0x116: {  	[sflag:s16] =	ssyncadd.s32 $0xFFFFFF80  }
0x117: {  	[tilespmem:s17], [sflag:$0x8] =	stream.indirect.gather [hbm4b:s23+s31], $0x80, s29, s31, $0xb8;
	[tilespmem:$0x14780] =	vst v63  }
0x118: {  	_ =	swait.ge [sflag:s18], $0x80  }
0x119: {  	[sflag:s18] =	ssyncset.done $0x0  }
0x11a: {  	[sflag:s18] =	ssyncadd.s32 $0xFFFFFF80  }
0x11b: {  	_ =	swait.ge [sflag:s18], $0x80  }
0x11c: {  	[sflag:s18] =	ssyncset.done $0x0  }
0x11d: {  	[sflag:s18] =	ssyncadd.s32 $0xFFFFFF80  }
0x11e: {  	_ =	swait.ge [sflag:s18], $0x80  }
0x11f: {  	[sflag:s18] =	ssyncset.done $0x0  }
0x120: {  	[sflag:s18] =	ssyncadd.s32 $0xFFFFFF80  }
0x121: {  	[tilespmem:s19], [sflag:$0x9] =	stream.indirect.gather [hbm4b:s23+s31], $0x80, s8, s31, $0xb8;
	[tilespmem:$0x14780] =	vst v63  }
0x122: {  	_ =	swait.ge [sflag:s20], $0x80  }
0x123: {  	[sflag:s20] =	ssyncset.done $0x0  }
0x124: {  	[sflag:s20] =	ssyncadd.s32 $0xFFFFFF80  }
0x125: {  	_ =	swait.ge [sflag:s20], $0x80  }
0x126: {  	[sflag:s20] =	ssyncset.done $0x0  }
0x127: {  	[sflag:s20] =	ssyncadd.s32 $0xFFFFFF80  }
0x128: {  	_ =	swait.ge [sflag:s20], $0x80  }
0x129: {  	[sflag:s20] =	ssyncset.done $0x0  }
0x12a: {  	[sflag:s20] =	ssyncadd.s32 $0xFFFFFF80  }
0x12b: {  	[tilespmem:s0], [sflag:$0xA] =	stream.indirect.gather [hbm4b:s23+s31], $0x80, s3, s31, $0xb8;
	[tilespmem:$0x14780] =	vst v63  }
0x12c: {  	_ =	swait.ge [sflag:s9], $0x4000  }
0x12d: {  	[sflag:s9] =	ssyncset.done $0x0  }
0x12e: {  	s11 =	simm.s32 $0x280;
	[sflag:s9] =	ssyncadd.s32 $0xFFFFC000  }
0x12f: {  	[tilespmem:s13], [sflag:$0xB] =	stream.indirect.gather.add.f32 [hbm:s24], $0x80, s11, s31, $0xb8;
	[tilespmem:$0x14780] =	vst v63  }
0x130: {  	_ = 	snop  }
0x131: {  	[tilespmem:s13], [sflag:$0xB] =	stream.indirect.gather.add.f32 [hbm:s25], $0x80, s4, s31, $0xb8;
	[tilespmem:$0x14780] =	vst v63  }
0x132: {  	_ =	swait.ge [sflag:s10], $0x4000  }
0x133: {  	[sflag:s10] =	ssyncset.done $0x0  }
0x134: {  	[sflag:s10] =	ssyncadd.s32 $0xFFFFC000  }
0x135: {  	[tilespmem:s15], [sflag:$0xC] =	stream.indirect.gather.add.f32 [hbm:s24], $0x80, s28, s31, $0xb8;
	[tilespmem:$0x14780] =	vst v63  }
0x136: {  	s29 =	simm.s32 $0x8  }
0x137: {  	[tilespmem:s15], [sflag:$0xC] =	stream.indirect.gather.add.f32 [hbm:s25], $0x80, s6, s31, $0xb8;
	[tilespmem:$0x14780] =	vst v63  }
0x138: {  	_ =	swait.ge [sflag:s29], $0x4000  }
0x139: {  	[sflag:s29] =	ssyncset.done $0x0  }
0x13a: {  	[sflag:s29] =	ssyncadd.s32 $0xFFFFC000  }
0x13b: {  	[tilespmem:s17], [sflag:$0xD] =	stream.indirect.gather.add.f32 [hbm:s24], $0x80, s7, s31, $0xb8;
	[tilespmem:$0x14780] =	vst v63  }
0x13c: {  	s8 =	simm.s32 $0x9  }
0x13d: {  	[tilespmem:s17], [sflag:$0xD] =	stream.indirect.gather.add.f32 [hbm:s25], $0x80, s30, s31, $0xb8;
	[tilespmem:$0x14780] =	vst v63  }
0x13e: {  	_ =	swait.ge [sflag:s8], $0x4000  }
0x13f: {  	[sflag:s8] =	ssyncset.done $0x0  }
0x140: {  	s9 =	simm.s32 $0x400;
	[sflag:s8] =	ssyncadd.s32 $0xFFFFC000  }
0x141: {  	[tilespmem:s19], [sflag:$0xE] =	stream.indirect.gather.add.f32 [hbm:s24], $0x80, s9, s31, $0xb8;
	[tilespmem:$0x14780] =	vst v63  }
0x142: {  	s11 =	simm.s32 $0xA;
	s10 =	simm.s32 $0x680  }
0x143: {  	[tilespmem:s19], [sflag:$0xE] =	stream.indirect.gather.add.f32 [hbm:s25], $0x80, s10, s31, $0xb8;
	[tilespmem:$0x14780] =	vst v63  }
0x144: {  	_ =	swait.ge [sflag:s11], $0x4000  }
0x145: {  	[sflag:s11] =	ssyncset.done $0x0  }
0x146: {  	[sflag:s11] =	ssyncadd.s32 $0xFFFFC000  }
0x147: {  	[tilespmem:s0], [sflag:$0xF] =	stream.indirect.gather.add.f32 [hbm:s24], $0x80, s22, s31, $0xb8;
	[tilespmem:$0x14780] =	vst v63  }
0x148: {  	_ = 	snop  }
0x149: {  	[tilespmem:s0], [sflag:$0xF] =	stream.indirect.gather.add.f32 [hbm:s25], $0x80, s26, s31, $0xb8;
	[tilespmem:$0x14780] =	vst v63  }
0x14a: {  	_ =	swait.ge [sflag:s21], $0x4000  }
0x14b: {  	[sflag:s21] =	ssyncset.done $0x0  }
0x14c: {  	[sflag:s21] =	ssyncadd.s32 $0xFFFFC000  }
0x14d: {  	_ =	swait.ge [sflag:s21], $0x4000  }
0x14e: {  	[sflag:s21] =	ssyncset.done $0x0  }
0x14f: {  	[sflag:s21] =	ssyncadd.s32 $0xFFFFC000;
	s21 =	sld [smem:$0x7FD];
	_ =	sdelay $0x2  }
0x150: {  	[hbm4b:s21+s2] =	stream.linear.scatter [tilespmem:s13], [sflag:$0x10], $0x4000, $0x38;
	[tilespmem:$0x14780] =	vst v63  }
0x151: {  	_ =	swait.ge [sflag:s1], $0x4000  }
0x152: {  	[sflag:s1] =	ssyncset.done $0x0  }
0x153: {  	[sflag:s1] =	ssyncadd.s32 $0xFFFFC000  }
0x154: {  	_ =	swait.ge [sflag:s1], $0x4000  }
0x155: {  	[sflag:s1] =	ssyncset.done $0x0  }
0x156: {  	s3 =	simm.s32 $0xD;
	s28 =	sadd.s32 $0x800, s21;
	[sflag:s1] =	ssyncadd.s32 $0xFFFFC000  }
0x157: {  	[hbm4b:s28+s2] =	stream.linear.scatter [tilespmem:s15], [sflag:$0x11], $0x4000, $0x38;
	[tilespmem:$0x14780] =	vst v63  }
0x158: {  	_ =	swait.ge [sflag:s3], $0x4000  }
0x159: {  	[sflag:s3] =	ssyncset.done $0x0  }
0x15a: {  	[sflag:s3] =	ssyncadd.s32 $0xFFFFC000  }
0x15b: {  	_ =	swait.ge [sflag:s3], $0x4000  }
0x15c: {  	[sflag:s3] =	ssyncset.done $0x0  }
0x15d: {  	s4 =	simm.s32 $0xE;
	s29 =	sadd.s32 $0x1000, s21;
	[sflag:s3] =	ssyncadd.s32 $0xFFFFC000  }
0x15e: {  	[hbm4b:s29+s2] =	stream.linear.scatter [tilespmem:s17], [sflag:$0x12], $0x4000, $0x38;
	[tilespmem:$0x14780] =	vst v63  }
0x15f: {  	_ =	swait.ge [sflag:s4], $0x4000  }
0x160: {  	[sflag:s4] =	ssyncset.done $0x0  }
0x161: {  	[sflag:s4] =	ssyncadd.s32 $0xFFFFC000  }
0x162: {  	_ =	swait.ge [sflag:s4], $0x4000  }
0x163: {  	[sflag:s4] =	ssyncset.done $0x0  }
0x164: {  	s30 =	sadd.s32 $0x1800, s21;
	[sflag:s4] =	ssyncadd.s32 $0xFFFFC000  }
0x165: {  	[hbm4b:s30+s2] =	stream.linear.scatter [tilespmem:s19], [sflag:$0x13], $0x4000, $0x38;
	[tilespmem:$0x14780] =	vst v63  }
0x166: {  	_ =	swait.ge [sflag:s5], $0x4000  }
0x167: {  	[sflag:s5] =	ssyncset.done $0x0  }
0x168: {  	[sflag:s5] =	ssyncadd.s32 $0xFFFFC000  }
0x169: {  	_ =	swait.ge [sflag:s5], $0x4000  }
0x16a: {  	s11 =	simm.s32 $0x50;
	[sflag:s5] =	ssyncset.done $0x0  }
0x16b: {  	s26 =	sadd.s32 $0x2000, s21;
	s22 =	sadd.s32 $0x2800, s21;
	[sflag:s5] =	ssyncadd.s32 $0xFFFFC000  }
.LBB2_2:
0x16c: {  	s0 =	simm.s32 $0x10780;
	s6 =	simm.s32 $0x10  }
0x16d: {  	[hbm4b:s26+s2] =	stream.linear.scatter [tilespmem:s0], [sflag:$0x14], $0x4000, $0x38;
	[tilespmem:$0x14780] =	vst v63  }
0x16e: {  	_ =	swait.ge [sflag:s6], $0x4000  }
0x16f: {  	[sflag:s6] =	ssyncset.done $0x0  }
0x170: {  	s13 =	simm.s32 $0x11;
	[sflag:s6] =	ssyncadd.s32 $0xFFFFC000  }
0x171: {  	_ =	swait.ge [sflag:s13], $0x4000  }
0x172: {  	[sflag:s13] =	ssyncset.done $0x0  }
0x173: {  	s15 =	simm.s32 $0x12;
	[sflag:s13] =	ssyncadd.s32 $0xFFFFC000  }
0x174: {  	_ =	swait.ge [sflag:s15], $0x4000  }
0x175: {  	[sflag:s15] =	ssyncset.done $0x0  }
0x176: {  	s17 =	simm.s32 $0x13;
	[sflag:s15] =	ssyncadd.s32 $0xFFFFC000  }
0x177: {  	_ =	swait.ge [sflag:s17], $0x4000  }
0x178: {  	[sflag:s17] =	ssyncset.done $0x0  }
0x179: {  	s8 =	simm.s32 $0x14;
	[sflag:s17] =	ssyncadd.s32 $0xFFFFC000  }
0x17a: {  	_ =	swait.ge [sflag:s8], $0x4000  }
0x17b: {  	s1 =	smov.u32 s11;
	s28 =	rddreg [dreg:$0x5];
	[sflag:s8] =	ssyncset.done $0x0  }
0x17c: {  	s29 =	rddreg [dreg:$0x4];
	[sflag:s8] =	ssyncadd.s32 $0xFFFFC000;
	s28 =	sadd.s32 s1, s28  }
0x17d: {  	[tilespmem:s2], [sflag:$0x1] =	stream.linear.gather [hbm4b:s28+s2], $0x80, $0x38;
	[tilespmem:$0x14780] =	vst v63  }
0x17e: {  	s3 =	simm.s32 $0x280;
	s30 =	rddreg [dreg:$0x3];
	s28 =	sadd.s32 s1, s29  }
0x17f: {  	[tilespmem:s3], [sflag:$0x1] =	stream.linear.gather [hbm4b:s28+s2], $0x80, $0x38;
	[tilespmem:$0x14780] =	vst v63  }
0x180: {  	s4 =	simm.s32 $0x500;
	s29 =	rddreg [dreg:$0x11];
	s28 =	sadd.s32 s1, s30  }
0x181: {  	[tilespmem:s4], [sflag:$0x1] =	stream.linear.gather [hbm4b:s28+s2], $0x80, $0x38;
	[tilespmem:$0x14780] =	vst v63  }
0x182: {  	s30 =	rddreg [dreg:$0x10];
	s28 =	sadd.s32 s1, s29  }
0x183: {  	[tilespmem:s31], [sflag:$0x2] =	stream.linear.gather [hbm4b:s28+s2], $0x80, $0x38;
	[tilespmem:$0x14780] =	vst v63  }
0x184: {  	s19 =	simm.s32 $0x300;
	s29 =	rddreg [dreg:$0xf];
	s28 =	sadd.s32 s1, s30  }
0x185: {  	[tilespmem:s19], [sflag:$0x2] =	stream.linear.gather [hbm4b:s28+s2], $0x80, $0x38;
	[tilespmem:$0x14780] =	vst v63  }
0x186: {  	s6 =	simm.s32 $0x580;
	s30 =	rddreg [dreg:$0xe];
	s28 =	sadd.s32 s1, s29  }
0x187: {  	[tilespmem:s6], [sflag:$0x2] =	stream.linear.gather [hbm4b:s28+s2], $0x80, $0x38;
	[tilespmem:$0x14780] =	vst v63  }
0x188: {  	s7 =	simm.s32 $0x100;
	s29 =	rddreg [dreg:$0xd];
	s28 =	sadd.s32 s1, s30  }
0x189: {  	[tilespmem:s7], [sflag:$0x3] =	stream.linear.gather [hbm4b:s28+s2], $0x80, $0x38;
	[tilespmem:$0x14780] =	vst v63  }
0x18a: {  	s30 =	rddreg [dreg:$0xc];
	s7 =	simm.s32 $0x380;
	s28 =	sadd.s32 s1, s29  }
0x18b: {  	[tilespmem:s7], [sflag:$0x3] =	stream.linear.gather [hbm4b:s28+s2], $0x80, $0x38;
	[tilespmem:$0x14780] =	vst v63  }
0x18c: {  	s21 =	simm.s32 $0x600;
	s29 =	rddreg [dreg:$0xb];
	s28 =	sadd.s32 s1, s30  }
0x18d: {  	[tilespmem:s21], [sflag:$0x3] =	stream.linear.gather [hbm4b:s28+s2], $0x80, $0x38;
	[tilespmem:$0x14780] =	vst v63  }
0x18e: {  	s8 =	simm.s32 $0x180;
	s30 =	rddreg [dreg:$0xa];
	s28 =	sadd.s32 s1, s29  }
0x18f: {  	[tilespmem:s8], [sflag:$0x4] =	stream.linear.gather [hbm4b:s28+s2], $0x80, $0x38;
	[tilespmem:$0x14780] =	vst v63  }
0x190: {  	s10 =	simm.s32 $0x400;
	s29 =	rddreg [dreg:$0x9];
	s28 =	sadd.s32 s1, s30  }
0x191: {  	[tilespmem:s10], [sflag:$0x4] =	stream.linear.gather [hbm4b:s28+s2], $0x80, $0x38;
	[tilespmem:$0x14780] =	vst v63  }
0x192: {  	s9 =	simm.s32 $0x680;
	s30 =	rddreg [dreg:$0x8];
	s28 =	sadd.s32 s1, s29  }
0x193: {  	[tilespmem:s9], [sflag:$0x4] =	stream.linear.gather [hbm4b:s28+s2], $0x80, $0x38;
	[tilespmem:$0x14780] =	vst v63  }
0x194: {  	s13 =	simm.s32 $0x200;
	s29 =	rddreg [dreg:$0x7];
	s28 =	sadd.s32 s1, s30  }
0x195: {  	[tilespmem:s13], [sflag:$0x5] =	stream.linear.gather [hbm4b:s28+s2], $0x80, $0x38;
	[tilespmem:$0x14780] =	vst v63  }
0x196: {  	s17 =	simm.s32 $0x480;
	s30 =	rddreg [dreg:$0x6];
	s28 =	sadd.s32 s1, s29  }
0x197: {  	[tilespmem:s17], [sflag:$0x5] =	stream.linear.gather [hbm4b:s28+s2], $0x80, $0x38;
	[tilespmem:$0x14780] =	vst v63  }
0x198: {  	s26 =	sadd.s32 s1, s30;
	s1 =	simm.s32 $0x700  }
0x199: {  	[tilespmem:s1], [sflag:$0x5] =	stream.linear.gather [hbm4b:s26+s2], $0x80, $0x38;
	[tilespmem:$0x14780] =	vst v63  }
0x19a: {  	_ =	swait.ge [sflag:s12], $0x80  }
0x19b: {  	[sflag:s12] =	ssyncset.done $0x0  }
0x19c: {  	[sflag:s12] =	ssyncadd.s32 $0xFFFFFF80  }
0x19d: {  	_ =	swait.ge [sflag:s12], $0x80  }
0x19e: {  	[sflag:s12] =	ssyncset.done $0x0  }
0x19f: {  	[sflag:s12] =	ssyncadd.s32 $0xFFFFFF80  }
0x1a0: {  	_ =	swait.ge [sflag:s12], $0x80  }
0x1a1: {  	[sflag:s12] =	ssyncset.done $0x0  }
0x1a2: {  	s15 =	simm.s32 $0x780;
	[sflag:s12] =	ssyncadd.s32 $0xFFFFFF80  }
0x1a3: {  	[tilespmem:s15], [sflag:$0x6] =	stream.indirect.gather [hbm4b:s23+s31], $0x80, s2, s31, $0xb8;
	[tilespmem:$0x14780] =	vst v63  }
0x1a4: {  	_ =	swait.ge [sflag:s14], $0x80  }
0x1a5: {  	[sflag:s14] =	ssyncset.done $0x0  }
0x1a6: {  	[sflag:s14] =	ssyncadd.s32 $0xFFFFFF80  }
0x1a7: {  	_ =	swait.ge [sflag:s14], $0x80  }
0x1a8: {  	[sflag:s14] =	ssyncset.done $0x0  }
0x1a9: {  	[sflag:s14] =	ssyncadd.s32 $0xFFFFFF80  }
0x1aa: {  	_ =	swait.ge [sflag:s14], $0x80  }
0x1ab: {  	[sflag:s14] =	ssyncset.done $0x0  }
0x1ac: {  	s15 =	simm.s32 $0x4780;
	[sflag:s14] =	ssyncadd.s32 $0xFFFFFF80  }
0x1ad: {  	[tilespmem:s15], [sflag:$0x7] =	stream.indirect.gather [hbm4b:s23+s31], $0x80, s31, s31, $0xb8;
	[tilespmem:$0x14780] =	vst v63  }
0x1ae: {  	_ =	swait.ge [sflag:s16], $0x80  }
0x1af: {  	[sflag:s16] =	ssyncset.done $0x0  }
0x1b0: {  	[sflag:s16] =	ssyncadd.s32 $0xFFFFFF80  }
0x1b1: {  	_ =	swait.ge [sflag:s16], $0x80  }
0x1b2: {  	[sflag:s16] =	ssyncset.done $0x0  }
0x1b3: {  	[sflag:s16] =	ssyncadd.s32 $0xFFFFFF80  }
0x1b4: {  	_ =	swait.ge [sflag:s16], $0x80  }
0x1b5: {  	[sflag:s16] =	ssyncset.done $0x0  }
0x1b6: {  	s19 =	simm.s32 $0x8780;
	s29 =	simm.s32 $0x100;
	[sflag:s16] =	ssyncadd.s32 $0xFFFFFF80  }
0x1b7: {  	[tilespmem:s19], [sflag:$0x8] =	stream.indirect.gather [hbm4b:s23+s31], $0x80, s29, s31, $0xb8;
	[tilespmem:$0x14780] =	vst v63  }
0x1b8: {  	_ =	swait.ge [sflag:s18], $0x80  }
0x1b9: {  	[sflag:s18] =	ssyncset.done $0x0  }
0x1ba: {  	[sflag:s18] =	ssyncadd.s32 $0xFFFFFF80  }
0x1bb: {  	_ =	swait.ge [sflag:s18], $0x80  }
0x1bc: {  	[sflag:s18] =	ssyncset.done $0x0  }
0x1bd: {  	[sflag:s18] =	ssyncadd.s32 $0xFFFFFF80  }
0x1be: {  	_ =	swait.ge [sflag:s18], $0x80  }
0x1bf: {  	[sflag:s18] =	ssyncset.done $0x0  }
0x1c0: {  	s21 =	simm.s32 $0xC780;
	[sflag:s18] =	ssyncadd.s32 $0xFFFFFF80  }
0x1c1: {  	[tilespmem:s21], [sflag:$0x9] =	stream.indirect.gather [hbm4b:s23+s31], $0x80, s8, s31, $0xb8;
	[tilespmem:$0x14780] =	vst v63  }
0x1c2: {  	_ =	swait.ge [sflag:s20], $0x80  }
0x1c3: {  	[sflag:s20] =	ssyncset.done $0x0  }
0x1c4: {  	[sflag:s20] =	ssyncadd.s32 $0xFFFFFF80  }
0x1c5: {  	_ =	swait.ge [sflag:s20], $0x80  }
0x1c6: {  	[sflag:s20] =	ssyncset.done $0x0  }
0x1c7: {  	[sflag:s20] =	ssyncadd.s32 $0xFFFFFF80  }
0x1c8: {  	_ =	swait.ge [sflag:s20], $0x80  }
0x1c9: {  	[sflag:s20] =	ssyncset.done $0x0  }
0x1ca: {  	s26 =	simm.s32 $0x6;
	[sflag:s20] =	ssyncadd.s32 $0xFFFFFF80  }
0x1cb: {  	[tilespmem:s0], [sflag:$0xA] =	stream.indirect.gather [hbm4b:s23+s31], $0x80, s13, s31, $0xb8;
	[tilespmem:$0x14780] =	vst v63  }
0x1cc: {  	_ =	swait.ge [sflag:s26], $0x4000  }
0x1cd: {  	[sflag:s26] =	ssyncset.done $0x0  }
0x1ce: {  	s13 =	simm.s32 $0x780;
	[sflag:s26] =	ssyncadd.s32 $0xFFFFC000  }
0x1cf: {  	[tilespmem:s13], [sflag:$0xB] =	stream.indirect.gather.add.f32 [hbm:s24], $0x80, s3, s31, $0xb8;
	[tilespmem:$0x14780] =	vst v63  }
0x1d0: {  	s26 =	simm.s32 $0x7  }
0x1d1: {  	[tilespmem:s13], [sflag:$0xB] =	stream.indirect.gather.add.f32 [hbm:s25], $0x80, s4, s31, $0xb8;
	[tilespmem:$0x14780] =	vst v63  }
0x1d2: {  	_ =	swait.ge [sflag:s26], $0x4000  }
0x1d3: {  	[sflag:s26] =	ssyncset.done $0x0  }
0x1d4: {  	s28 =	simm.s32 $0x300;
	[sflag:s26] =	ssyncadd.s32 $0xFFFFC000  }
0x1d5: {  	[tilespmem:s15], [sflag:$0xC] =	stream.indirect.gather.add.f32 [hbm:s24], $0x80, s28, s31, $0xb8;
	[tilespmem:$0x14780] =	vst v63  }
0x1d6: {  	s26 =	simm.s32 $0x8  }
0x1d7: {  	[tilespmem:s15], [sflag:$0xC] =	stream.indirect.gather.add.f32 [hbm:s25], $0x80, s6, s31, $0xb8;
	[tilespmem:$0x14780] =	vst v63  }
0x1d8: {  	_ =	swait.ge [sflag:s26], $0x4000  }
0x1d9: {  	[sflag:s26] =	ssyncset.done $0x0  }
0x1da: {  	[sflag:s26] =	ssyncadd.s32 $0xFFFFC000  }
0x1db: {  	[tilespmem:s19], [sflag:$0xD] =	stream.indirect.gather.add.f32 [hbm:s24], $0x80, s7, s31, $0xb8;
	[tilespmem:$0x14780] =	vst v63  }
0x1dc: {  	s30 =	simm.s32 $0x600;
	s26 =	simm.s32 $0x9  }
0x1dd: {  	[tilespmem:s19], [sflag:$0xD] =	stream.indirect.gather.add.f32 [hbm:s25], $0x80, s30, s31, $0xb8;
	[tilespmem:$0x14780] =	vst v63  }
0x1de: {  	_ =	swait.ge [sflag:s26], $0x4000  }
0x1df: {  	[sflag:s26] =	ssyncset.done $0x0  }
0x1e0: {  	s19 =	simm.s32 $0xC780;
	[sflag:s26] =	ssyncadd.s32 $0xFFFFC000  }
0x1e1: {  	[tilespmem:s19], [sflag:$0xE] =	stream.indirect.gather.add.f32 [hbm:s24], $0x80, s10, s31, $0xb8;
	[tilespmem:$0x14780] =	vst v63  }
0x1e2: {  	s26 =	simm.s32 $0xA  }
0x1e3: {  	[tilespmem:s19], [sflag:$0xE] =	stream.indirect.gather.add.f32 [hbm:s25], $0x80, s9, s31, $0xb8;
	[tilespmem:$0x14780] =	vst v63  }
0x1e4: {  	_ =	swait.ge [sflag:s26], $0x4000  }
0x1e5: {  	[sflag:s26] =	ssyncset.done $0x0  }
0x1e6: {  	[sflag:s26] =	ssyncadd.s32 $0xFFFFC000  }
0x1e7: {  	[tilespmem:s0], [sflag:$0xF] =	stream.indirect.gather.add.f32 [hbm:s24], $0x80, s17, s31, $0xb8;
	[tilespmem:$0x14780] =	vst v63  }
0x1e8: {  	s21 =	simm.s32 $0xB  }
0x1e9: {  	[tilespmem:s0], [sflag:$0xF] =	stream.indirect.gather.add.f32 [hbm:s25], $0x80, s1, s31, $0xb8;
	[tilespmem:$0x14780] =	vst v63  }
0x1ea: {  	_ =	swait.ge [sflag:s21], $0x4000  }
0x1eb: {  	[sflag:s21] =	ssyncset.done $0x0  }
0x1ec: {  	[sflag:s21] =	ssyncadd.s32 $0xFFFFC000  }
0x1ed: {  	_ =	swait.ge [sflag:s21], $0x4000  }
0x1ee: {  	[sflag:s21] =	ssyncset.done $0x0  }
0x1ef: {  	s1 =	simm.s32 $0xC;
	[sflag:s21] =	ssyncadd.s32 $0xFFFFC000  }
0x1f0: {  	[hbm4b:s22+s2] =	stream.linear.scatter [tilespmem:s13], [sflag:$0x10], $0x4000, $0x38;
	[tilespmem:$0x14780] =	vst v63  }
0x1f1: {  	_ =	swait.ge [sflag:s1], $0x4000  }
0x1f2: {  	[sflag:s1] =	ssyncset.done $0x0  }
0x1f3: {  	[sflag:s1] =	ssyncadd.s32 $0xFFFFC000  }
0x1f4: {  	_ =	swait.ge [sflag:s1], $0x4000  }
0x1f5: {  	[sflag:s1] =	ssyncset.done $0x0  }
0x1f6: {  	s3 =	simm.s32 $0xD;
	s10 =	sadd.s32 $0x800, s22;
	[sflag:s1] =	ssyncadd.s32 $0xFFFFC000  }
0x1f7: {  	[hbm4b:s10+s2] =	stream.linear.scatter [tilespmem:s15], [sflag:$0x11], $0x4000, $0x38;
	[tilespmem:$0x14780] =	vst v63  }
0x1f8: {  	_ =	swait.ge [sflag:s3], $0x4000  }
0x1f9: {  	[sflag:s3] =	ssyncset.done $0x0  }
0x1fa: {  	[sflag:s3] =	ssyncadd.s32 $0xFFFFC000  }
0x1fb: {  	_ =	swait.ge [sflag:s3], $0x4000  }
0x1fc: {  	s4 =	simm.s32 $0xE;
	[sflag:s3] =	ssyncset.done $0x0  }
0x1fd: {  	s17 =	simm.s32 $0x8780;
	s0 =	sadd.s32 $0x1000, s22;
	[sflag:s3] =	ssyncadd.s32 $0xFFFFC000  }
0x1fe: {  	[hbm4b:s0+s2] =	stream.linear.scatter [tilespmem:s17], [sflag:$0x12], $0x4000, $0x38;
	[tilespmem:$0x14780] =	vst v63  }
0x1ff: {  	_ =	swait.ge [sflag:s4], $0x4000  }
0x200: {  	[sflag:s4] =	ssyncset.done $0x0  }
0x201: {  	[sflag:s4] =	ssyncadd.s32 $0xFFFFC000  }
0x202: {  	_ =	swait.ge [sflag:s4], $0x4000  }
0x203: {  	[sflag:s4] =	ssyncset.done $0x0  }
0x204: {  	s10 =	sadd.s32 $0x1800, s22;
	[sflag:s4] =	ssyncadd.s32 $0xFFFFC000  }
0x205: {  	[hbm4b:s10+s2] =	stream.linear.scatter [tilespmem:s19], [sflag:$0x13], $0x4000, $0x38;
	[tilespmem:$0x14780] =	vst v63  }
0x206: {  	p0 =	sne.s32 s11, $0xBE0;
	_ =	swait.ge [sflag:s5], $0x4000  }
.Ltmp0:
0x207: {  	[sflag:s5] =	ssyncset.done $0x0;
	(pc) =	sbr.rel @p0 .LBB2_2-.Ltmp0, $4  }
0x208: {  	[sflag:s5] =	ssyncadd.s32 $0xFFFFC000  }
0x209: {  	_ =	swait.ge [sflag:s5], $0x4000  }
0x20a: {  	s11 =	sadd.s32 $0x50, s11;
	s9 =	simm.s32 $0x10780;
	[sflag:s5] =	ssyncset.done $0x0  }
0x20b: {  	s26 =	sadd.s32 $0x2000, s22;
	s22 =	sadd.s32 $0x2800, s22;
	[sflag:s5] =	ssyncadd.s32 $0xFFFFC000  }
0x20c: {  	[hbm4b:s26+s2] =	stream.linear.scatter [tilespmem:s9], [sflag:$0x14], $0x4000, $0x38;
	[tilespmem:$0x14780] =	vst v63  }
0x20d: {  	s0 =	simm.s32 $0x10  }
0x20e: {  	_ =	swait.ge [sflag:s0], $0x4000  }
0x20f: {  	[sflag:s0] =	ssyncset.done $0x0  }
0x210: {  	s10 =	simm.s32 $0x11;
	[sflag:s0] =	ssyncadd.s32 $0xFFFFC000  }
0x211: {  	_ =	swait.ge [sflag:s10], $0x4000  }
0x212: {  	[sflag:s10] =	ssyncset.done $0x0  }
0x213: {  	s11 =	simm.s32 $0x12;
	[sflag:s10] =	ssyncadd.s32 $0xFFFFC000  }
0x214: {  	_ =	swait.ge [sflag:s11], $0x4000  }
0x215: {  	[sflag:s11] =	ssyncset.done $0x0  }
0x216: {  	s22 =	simm.s32 $0x13;
	[sflag:s11] =	ssyncadd.s32 $0xFFFFC000  }
0x217: {  	_ =	swait.ge [sflag:s22], $0x4000  }
0x218: {  	[sflag:s22] =	ssyncset.done $0x0  }
0x219: {  	s26 =	simm.s32 $0x14;
	[sflag:s22] =	ssyncadd.s32 $0xFFFFC000  }
0x21a: {  	_ =	swait.ge [sflag:s26], $0x4000  }
0x21b: {  	s10 =	sld [smem:$0x7F5]  }
0x21c: {  	s11 =	sld [smem:$0x7FC];
	_ =	sdelay $0x1  }
0x21d: {  	s10 =	sadd.s32 $0x1, s10  }
0x21e: {  	p0 =	sne.s32 s10, s11  }
.Ltmp1:
0x21f: {  	_ = 	snop;
	(pc) =	sbr.rel @p0 .LBB2_1-.Ltmp1, $3  }
0x220: {  	_ =	sdelay $0x1  }
0x221: {  	[sflag:s26] =	ssyncset.done $0x0  }
0x222: {  	s22 =	simm.s32 $0x280;
	[sflag:s26] =	ssyncadd.s32 $0xFFFFC000;
	s26 =	simm.s32 $0x500  }
0x223: {  	_ =	sfence.sel $0x180000  }
0x224: {  	[bflag:$0x0] =	sbarrier.arrive $0xFFFF  }
0x225: {  	_ =	strace $0x90000047  }
0x226: {  	s0 =	stileid.u32;
	[bflag:$0x2] =	sbarrier.arrive $0xFFFF  }
0x227: {  	p0 =	sne.s32 s0, $0x0;
	s0 =	rddreg [dreg:$0x2]  }
0x228: {  	s0 =	sadd.s32 @!p0 $0x100000, s0  }
0x229: {  	[sflag:s0] =	ssyncadd.tile.s32 @!p0 $0x1;
	_ =	shalt  }
.Lfunc_end2:
_tile_overlayer_lowered:
.L_overlay_start_2:
0x22a: {  	(tag) =	ssettag $0x2  }
0x22b: {  	s0 =	rddreg [dreg:$0x0];
	s2 =	stileid.u32  }
0x22c: {  	s1 =	rddreg [dreg:$0x1];
	p0 =	sne.s32 s2, $0x0  }
0x22d: {  	s3 =	rddreg [dreg:$0x2];
	[bflag:$0x3] =	sbarrier.arrive $0xFFFF;
	s2 =	simm.s32 @!p0 $0x1C15  }
0x22e: {  	[timem:s3], [sflag:s2] =	dma.local @!p0 [hbm:s0], s1  }
0x22f: {  	s0 =	simm.s32 @!p0 $0x15  }
0x230: {  	_ =	swait.ge @!p0 [sflag:s0], s1  }
0x231: {  	s1 =	ssub.s32 @!p0 $0x0, s1;
	[sflag:s0] =	ssyncset.done @!p0 $0x0  }
0x232: {  	[sflag:s0] =	ssyncadd.s32 @!p0 s1  }
0x233: {  	[bflag:$0x3] =	sbarrier.arrive $0xFFFF  }
0x234: {  	_ =	shalt  }

</sc_bundles>
